<compile_context>
chip_gen: v7x
topology: tpu7x:2x2x1
jax: 0.10.2.dev20260603
libtpu: 0.0.44.dev20260713+nightly
codegen_flags: <defaults>
</compile_context>

<pallas_src>
import functools

import jax
import jax.numpy as jnp
from jax import lax
from jax.experimental import pallas as pl
from jax.experimental.pallas import tpu as pltpu, tpu_sc as plsc

_ROWS = 16384
_COLS = 100
_TOTAL = _ROWS * _COLS
_L = 16
_NW = 32
_ROWS_W = _ROWS // _NW
_CH_ROWS = 128
_NCH = _ROWS_W // _CH_ROWS
_NBUF = 2
_FULL_VECS = _COLS // _L
_TAIL_OFF = _COLS - _L
_TAIL_NEW = _L - (_COLS - _FULL_VECS * _L)


def _make_conf_kernel():
    mesh = plsc.VectorSubcoreMesh(core_axis_name="c", subcore_axis_name="s")

    @functools.partial(
        pl.kernel,
        mesh=mesh,
        out_type=jax.ShapeDtypeStruct((_NW, 2, _L), jnp.int32),
        scratch_types=[
            pltpu.VMEM((_NBUF, _CH_ROWS, _COLS), jnp.float32),
            pltpu.VMEM((_NBUF, _CH_ROWS, _COLS), jnp.int32),
            pltpu.VMEM((2, _L), jnp.int32),
            pltpu.SemaphoreType.DMA,
            pltpu.SemaphoreType.DMA,
        ],
        compiler_params=pltpu.CompilerParams(skip_device_barrier=True),
    )
    def conf(out_hbm, tgt_hbm, res_hbm, o_v, t_v, r_v, sem0, sem1):
        nc = lax.axis_index("c")
        ns = lax.axis_index("s")
        wid = ns * 2 + nc
        row0 = wid * _ROWS_W
        sems = (sem0, sem1)

        def start(buf, c):
            r = row0 + c * _CH_ROWS
            return (
                pltpu.async_copy(
                    out_hbm.at[pl.ds(r, _CH_ROWS), :], o_v.at[buf], sems[buf]
                ),
                pltpu.async_copy(
                    tgt_hbm.at[pl.ds(r, _CH_ROWS), :], t_v.at[buf], sems[buf]
                ),
            )

        zeros = jnp.zeros((_L,), jnp.int32)
        tail_ok = lax.iota(jnp.int32, _L) >= _TAIL_NEW

        handles = [None, None]
        handles[0] = start(0, 0)

        acc_ac = zeros
        acc_b = zeros
        for c in range(_NCH):
            buf = c % _NBUF
            if c + 1 < _NCH:
                handles[(c + 1) % _NBUF] = start((c + 1) % _NBUF, c + 1)
            ha, hb = handles[buf]
            ha.wait()
            hb.wait()

            def body(r, carry, buf=buf):
                a_ac, a_b = carry
                for j in range(_FULL_VECS):
                    o = o_v[buf, r, pl.ds(j * _L, _L)]
                    t = t_v[buf, r, pl.ds(j * _L, _L)]
                    p = o > 0.0
                    a_ac = a_ac + jnp.where(p, t + (1 << 16), zeros)
                    a_b = a_b + t
                o = o_v[buf, r, pl.ds(_TAIL_OFF, _L)]
                t = t_v[buf, r, pl.ds(_TAIL_OFF, _L)]
                p = jnp.logical_and(o > 0.0, tail_ok)
                a_ac = a_ac + jnp.where(p, t + (1 << 16), zeros)
                a_b = a_b + jnp.where(tail_ok, t, zeros)
                return (a_ac, a_b)

            acc_ac, acc_b = lax.fori_loop(
                0, _CH_ROWS, body, (acc_ac, acc_b), unroll=2
            )

        r_v[0, :] = acc_ac
        r_v[1, :] = acc_b
        pltpu.sync_copy(r_v, res_hbm.at[wid])

    return conf


_conf = _make_conf_kernel()


def kernel(output, target):
    res = _conf(output, target)
    a = jnp.sum(res[:, 0, :] >> 16)
    c = jnp.sum(res[:, 0, :] & 0xFFFF)
    b = jnp.sum(res[:, 1, :])
    tp = c
    fp = a - c
    fn = _TOTAL - b - a + c
    return (tp, fp, fn)

# --- scband reference (transcript-rebuilt; emitter-appended) ---
"""Pipeline reference for scband-simple-test-30880814858292 (READ-ONLY COPY).

The authoritative reference and input builder live on the scoring server;
editing this copy changes nothing except your own understanding.
"""

import jax, jax.numpy as jnp
import numpy as np


def setup_inputs(seed: int = 0) -> dict:
    key = jax.random.key(seed)
    k1, k2 = jax.random.split(key)
    output = jax.random.normal(k1, (16384, 100), dtype=jnp.float32)
    target = jax.random.randint(k2, (16384, 100), 0, 2, dtype=jnp.int32)
    return {"output": output, "target": target}


def reference(output, target):
    # torch: predict_positive = output > 0
    predict_positive = output > 0
    target_b = target != 0
    not_target = jnp.logical_not(target_b)
    not_pp = jnp.logical_not(predict_positive)
    # torch boolean-mask indexing + .sum() is equivalent to a masked count:
    # target[predict_positive].sum() == sum(target & predict_positive)
    true_positive = jnp.sum(jnp.logical_and(predict_positive, target_b).astype(jnp.int32))
    false_positive = jnp.sum(jnp.logical_and(predict_positive, not_target).astype(jnp.int32))
    # note: original code computes logical_not(target)[~predict_positive].sum()
    # and calls it false_negative; we reproduce that exact math faithfully.
    false_negative = jnp.sum(jnp.logical_and(not_pp, not_target).astype(jnp.int32))
    return (true_positive, false_positive, false_negative)

if __name__ == "__main__":
    import jax
    _d = setup_inputs()
    print(jax.jit(kernel)(*tuple(_d.values())))

</pallas_src>

<mosaic_0001>
#map = affine_map<(d0, d1) -> (0, 0)>
#map1 = affine_map<(d0, d1) -> (0, 0, 0)>
module attributes {stable_mosaic.version = 14 : i64} {
  func.func @conf(%arg0: i32, %arg1: i32, %arg2: memref<16384x100xf32, #tpu.memory_space<hbm>>, %arg3: memref<16384x100xi32, #tpu.memory_space<hbm>>, %arg4: memref<32x2x16xi32, #tpu.memory_space<hbm>>, %arg5: memref<2x128x100xf32, #tpu.memory_space<vmem>>, %arg6: memref<2x128x100xi32, #tpu.memory_space<vmem>>, %arg7: memref<2x16xi32, #tpu.memory_space<vmem>>, %arg8: memref<!tpu.dma_semaphore, #tpu.memory_space<semaphore_mem>>, %arg9: memref<!tpu.dma_semaphore, #tpu.memory_space<semaphore_mem>>) attributes {dimension_semantics = [#tpu.dimension_semantics<core_parallel>, #tpu.dimension_semantics<subcore_parallel>], iteration_bounds = array<i64: 2, 16>, scalar_prefetch = 0 : i64, scratch_operands = 5 : i64, tpu.core_type = #tpu.core_type<sc_vector_subcore>, window_params = [{transform_indices = #map}, {transform_indices = #map}, {transform_indices = #map1}]} {
    %mul3A = arith.constant 2 : i32
    %mul3A_0 = arith.muli %arg1, %mul3A : i32
    %add3A = arith.addi %mul3A_0, %arg0 : i32
    %mul3A_1 = arith.constant 512 : i32
    %mul3A_2 = arith.muli %add3A, %mul3A_1 : i32
    %broadcast_in_dim3A = arith.constant 0 : i32
    %broadcast_in_dim3A_3 = vector.broadcast %broadcast_in_dim3A : i32 to vector<16xi32>
    %iota3A = tpu.iota {dimensions = array<i32: 0>} : vector<16xi32>
    %ge3A = arith.constant 12 : i32
    %ge3A_4 = vector.broadcast %ge3A : i32 to vector<16xi32>
    %ge3A_5 = arith.cmpi sge, %iota3A, %ge3A_4 : vector<16xi32>
    %add3A_6 = arith.constant 0 : i32
    %add3A_7 = arith.addi %mul3A_2, %add3A_6 : i32
    %dma_start3A = arith.constant 0 : i32
    %dma_start3A_8 = arith.constant 0 : i32
    %dma_start3A_9 = arith.constant 0 : i32
    %dma_start3A_10 = tpu.memref_slice %arg5[%dma_start3A, %dma_start3A_8, %dma_start3A_9] : memref<2x128x100xf32, #tpu.memory_space<vmem>> -> memref<1x128x100xf32, #tpu.memory_space<vmem>>
    %dma_start3A_11 = tpu.memref_squeeze %dma_start3A_10 : memref<1x128x100xf32, #tpu.memory_space<vmem>> -> memref<128x100xf32, #tpu.memory_space<vmem>>
    %dma_start3A_12 = arith.constant 0 : i32
    %dma_start3A_13 = tpu.memref_slice %arg2[%add3A_7, %dma_start3A_12] : memref<16384x100xf32, #tpu.memory_space<hbm>> -> memref<128x100xf32, #tpu.memory_space<hbm>>
    %dma_start3A_14 = arith.constant 0 : i32
    %dma_start3A_15 = arith.constant 0 : i32
    %dma_start3A_16 = tpu.memref_slice %arg5[%dma_start3A, %dma_start3A_14, %dma_start3A_15] : memref<2x128x100xf32, #tpu.memory_space<vmem>> -> memref<1x128x100xf32, #tpu.memory_space<vmem>>
    %dma_start3A_17 = tpu.memref_squeeze %dma_start3A_16 : memref<1x128x100xf32, #tpu.memory_space<vmem>> -> memref<128x100xf32, #tpu.memory_space<vmem>>
    %dma_start3A_18 = arith.constant 0 : i32
    %dma_start3A_19 = tpu.memref_slice %arg2[%add3A_7, %dma_start3A_18] : memref<16384x100xf32, #tpu.memory_space<hbm>> -> memref<128x100xf32, #tpu.memory_space<hbm>>
    tpu.enqueue_dma source(%dma_start3A_19 : memref<128x100xf32, #tpu.memory_space<hbm>>) target(%dma_start3A_17 : memref<128x100xf32, #tpu.memory_space<vmem>>) target_semaphore(%arg8 : memref<!tpu.dma_semaphore, #tpu.memory_space<semaphore_mem>>)
    %dma_start3A_20 = arith.constant 0 : i32
    %dma_start3A_21 = arith.constant 0 : i32
    %dma_start3A_22 = arith.constant 0 : i32
    %dma_start3A_23 = tpu.memref_slice %arg6[%dma_start3A_20, %dma_start3A_21, %dma_start3A_22] : memref<2x128x100xi32, #tpu.memory_space<vmem>> -> memref<1x128x100xi32, #tpu.memory_space<vmem>>
    %dma_start3A_24 = tpu.memref_squeeze %dma_start3A_23 : memref<1x128x100xi32, #tpu.memory_space<vmem>> -> memref<128x100xi32, #tpu.memory_space<vmem>>
    %dma_start3A_25 = arith.constant 0 : i32
    %dma_start3A_26 = tpu.memref_slice %arg3[%add3A_7, %dma_start3A_25] : memref<16384x100xi32, #tpu.memory_space<hbm>> -> memref<128x100xi32, #tpu.memory_space<hbm>>
    %dma_start3A_27 = arith.constant 0 : i32
    %dma_start3A_28 = arith.constant 0 : i32
    %dma_start3A_29 = tpu.memref_slice %arg6[%dma_start3A_20, %dma_start3A_27, %dma_start3A_28] : memref<2x128x100xi32, #tpu.memory_space<vmem>> -> memref<1x128x100xi32, #tpu.memory_space<vmem>>
    %dma_start3A_30 = tpu.memref_squeeze %dma_start3A_29 : memref<1x128x100xi32, #tpu.memory_space<vmem>> -> memref<128x100xi32, #tpu.memory_space<vmem>>
    %dma_start3A_31 = arith.constant 0 : i32
    %dma_start3A_32 = tpu.memref_slice %arg3[%add3A_7, %dma_start3A_31] : memref<16384x100xi32, #tpu.memory_space<hbm>> -> memref<128x100xi32, #tpu.memory_space<hbm>>
    tpu.enqueue_dma source(%dma_start3A_32 : memref<128x100xi32, #tpu.memory_space<hbm>>) target(%dma_start3A_30 : memref<128x100xi32, #tpu.memory_space<vmem>>) target_semaphore(%arg8 : memref<!tpu.dma_semaphore, #tpu.memory_space<semaphore_mem>>)
    %add3A_33 = arith.constant 128 : i32
    %add3A_34 = arith.addi %mul3A_2, %add3A_33 : i32
    %dma_start3A_35 = arith.constant 1 : i32
    %dma_start3A_36 = arith.constant 0 : i32
    %dma_start3A_37 = arith.constant 0 : i32
    %dma_start3A_38 = tpu.memref_slice %arg5[%dma_start3A_35, %dma_start3A_36, %dma_start3A_37] : memref<2x128x100xf32, #tpu.memory_space<vmem>> -> memref<1x128x100xf32, #tpu.memory_space<vmem>>
    %dma_start3A_39 = tpu.memref_squeeze %dma_start3A_38 : memref<1x128x100xf32, #tpu.memory_space<vmem>> -> memref<128x100xf32, #tpu.memory_space<vmem>>
    %dma_start3A_40 = arith.constant 0 : i32
    %dma_start3A_41 = tpu.memref_slice %arg2[%add3A_34, %dma_start3A_40] : memref<16384x100xf32, #tpu.memory_space<hbm>> -> memref<128x100xf32, #tpu.memory_space<hbm>>
    %dma_start3A_42 = arith.constant 0 : i32
    %dma_start3A_43 = arith.constant 0 : i32
    %dma_start3A_44 = tpu.memref_slice %arg5[%dma_start3A_35, %dma_start3A_42, %dma_start3A_43] : memref<2x128x100xf32, #tpu.memory_space<vmem>> -> memref<1x128x100xf32, #tpu.memory_space<vmem>>
    %dma_start3A_45 = tpu.memref_squeeze %dma_start3A_44 : memref<1x128x100xf32, #tpu.memory_space<vmem>> -> memref<128x100xf32, #tpu.memory_space<vmem>>
    %dma_start3A_46 = arith.constant 0 : i32
    %dma_start3A_47 = tpu.memref_slice %arg2[%add3A_34, %dma_start3A_46] : memref<16384x100xf32, #tpu.memory_space<hbm>> -> memref<128x100xf32, #tpu.memory_space<hbm>>
    tpu.enqueue_dma source(%dma_start3A_47 : memref<128x100xf32, #tpu.memory_space<hbm>>) target(%dma_start3A_45 : memref<128x100xf32, #tpu.memory_space<vmem>>) target_semaphore(%arg9 : memref<!tpu.dma_semaphore, #tpu.memory_space<semaphore_mem>>)
    %dma_start3A_48 = arith.constant 1 : i32
    %dma_start3A_49 = arith.constant 0 : i32
    %dma_start3A_50 = arith.constant 0 : i32
    %dma_start3A_51 = tpu.memref_slice %arg6[%dma_start3A_48, %dma_start3A_49, %dma_start3A_50] : memref<2x128x100xi32, #tpu.memory_space<vmem>> -> memref<1x128x100xi32, #tpu.memory_space<vmem>>
    %dma_start3A_52 = tpu.memref_squeeze %dma_start3A_51 : memref<1x128x100xi32, #tpu.memory_space<vmem>> -> memref<128x100xi32, #tpu.memory_space<vmem>>
    %dma_start3A_53 = arith.constant 0 : i32
    %dma_start3A_54 = tpu.memref_slice %arg3[%add3A_34, %dma_start3A_53] : memref<16384x100xi32, #tpu.memory_space<hbm>> -> memref<128x100xi32, #tpu.memory_space<hbm>>
    %dma_start3A_55 = arith.constant 0 : i32
    %dma_start3A_56 = arith.constant 0 : i32
    %dma_start3A_57 = tpu.memref_slice %arg6[%dma_start3A_48, %dma_start3A_55, %dma_start3A_56] : memref<2x128x100xi32, #tpu.memory_space<vmem>> -> memref<1x128x100xi32, #tpu.memory_space<vmem>>
    %dma_start3A_58 = tpu.memref_squeeze %dma_start3A_57 : memref<1x128x100xi32, #tpu.memory_space<vmem>> -> memref<128x100xi32, #tpu.memory_space<vmem>>
    %dma_start3A_59 = arith.constant 0 : i32
    %dma_start3A_60 = tpu.memref_slice %arg3[%add3A_34, %dma_start3A_59] : memref<16384x100xi32, #tpu.memory_space<hbm>> -> memref<128x100xi32, #tpu.memory_space<hbm>>
    tpu.enqueue_dma source(%dma_start3A_60 : memref<128x100xi32, #tpu.memory_space<hbm>>) target(%dma_start3A_58 : memref<128x100xi32, #tpu.memory_space<vmem>>) target_semaphore(%arg9 : memref<!tpu.dma_semaphore, #tpu.memory_space<semaphore_mem>>)
    %dma_wait3A = arith.constant 0 : i32
    %dma_wait3A_61 = arith.constant 0 : i32
    %dma_wait3A_62 = arith.constant 0 : i32
    %dma_wait3A_63 = tpu.memref_slice %arg5[%dma_wait3A, %dma_wait3A_61, %dma_wait3A_62] : memref<2x128x100xf32, #tpu.memory_space<vmem>> -> memref<1x128x100xf32, #tpu.memory_space<vmem>>
    %dma_wait3A_64 = tpu.memref_squeeze %dma_wait3A_63 : memref<1x128x100xf32, #tpu.memory_space<vmem>> -> memref<128x100xf32, #tpu.memory_space<vmem>>
    %dma_wait3A_65 = arith.constant 0 : i32
    %dma_wait3A_66 = tpu.memref_slice %arg2[%add3A_7, %dma_wait3A_65] : memref<16384x100xf32, #tpu.memory_space<hbm>> -> memref<128x100xf32, #tpu.memory_space<hbm>>
    %dma_wait3A_67 = arith.constant 0 : i32
    %dma_wait3A_68 = arith.constant 0 : i32
    %dma_wait3A_69 = tpu.memref_slice %arg5[%dma_wait3A, %dma_wait3A_67, %dma_wait3A_68] : memref<2x128x100xf32, #tpu.memory_space<vmem>> -> memref<1x128x100xf32, #tpu.memory_space<vmem>>
    %dma_wait3A_70 = tpu.memref_squeeze %dma_wait3A_69 : memref<1x128x100xf32, #tpu.memory_space<vmem>> -> memref<128x100xf32, #tpu.memory_space<vmem>>
    %dma_wait3A_71 = arith.constant 0 : i32
    %dma_wait3A_72 = tpu.memref_slice %arg2[%add3A_7, %dma_wait3A_71] : memref<16384x100xf32, #tpu.memory_space<hbm>> -> memref<128x100xf32, #tpu.memory_space<hbm>>
    tpu.wait_dma2 semaphore(%arg8 : memref<!tpu.dma_semaphore, #tpu.memory_space<semaphore_mem>>) src(%dma_wait3A_72 : memref<128x100xf32, #tpu.memory_space<hbm>>) dst(%dma_wait3A_70 : memref<128x100xf32, #tpu.memory_space<vmem>>)
    %dma_wait3A_73 = arith.constant 0 : i32
    %dma_wait3A_74 = arith.constant 0 : i32
    %dma_wait3A_75 = arith.constant 0 : i32
    %dma_wait3A_76 = tpu.memref_slice %arg6[%dma_wait3A_73, %dma_wait3A_74, %dma_wait3A_75] : memref<2x128x100xi32, #tpu.memory_space<vmem>> -> memref<1x128x100xi32, #tpu.memory_space<vmem>>
    %dma_wait3A_77 = tpu.memref_squeeze %dma_wait3A_76 : memref<1x128x100xi32, #tpu.memory_space<vmem>> -> memref<128x100xi32, #tpu.memory_space<vmem>>
    %dma_wait3A_78 = arith.constant 0 : i32
    %dma_wait3A_79 = tpu.memref_slice %arg3[%add3A_7, %dma_wait3A_78] : memref<16384x100xi32, #tpu.memory_space<hbm>> -> memref<128x100xi32, #tpu.memory_space<hbm>>
    %dma_wait3A_80 = arith.constant 0 : i32
    %dma_wait3A_81 = arith.constant 0 : i32
    %dma_wait3A_82 = tpu.memref_slice %arg6[%dma_wait3A_73, %dma_wait3A_80, %dma_wait3A_81] : memref<2x128x100xi32, #tpu.memory_space<vmem>> -> memref<1x128x100xi32, #tpu.memory_space<vmem>>
    %dma_wait3A_83 = tpu.memref_squeeze %dma_wait3A_82 : memref<1x128x100xi32, #tpu.memory_space<vmem>> -> memref<128x100xi32, #tpu.memory_space<vmem>>
    %dma_wait3A_84 = arith.constant 0 : i32
    %dma_wait3A_85 = tpu.memref_slice %arg3[%add3A_7, %dma_wait3A_84] : memref<16384x100xi32, #tpu.memory_space<hbm>> -> memref<128x100xi32, #tpu.memory_space<hbm>>
    tpu.wait_dma2 semaphore(%arg8 : memref<!tpu.dma_semaphore, #tpu.memory_space<semaphore_mem>>) src(%dma_wait3A_85 : memref<128x100xi32, #tpu.memory_space<hbm>>) dst(%dma_wait3A_83 : memref<128x100xi32, #tpu.memory_space<vmem>>)
    %scan3A = arith.constant 0 : i32
    %scan3A_86 = arith.constant 128 : i32
    %scan3A_87 = arith.addi %scan3A, %scan3A_86 : i32
    %scan3A_88 = arith.constant 2 : i32
    %scan3A_89:2 = scf.for %scan3A_254 = %scan3A to %scan3A_87 step %scan3A_88 iter_args(%scan3A_255 = %broadcast_in_dim3A_3, %scan3A_256 = %broadcast_in_dim3A_3) -> (vector<16xi32>, vector<16xi32>)  : i32 {
      %get3A = arith.constant 0 : i32
      %get3A_257 = arith.index_cast %get3A : i32 to index
      %get3A_258 = arith.index_cast %scan3A_254 : i32 to index
      %get3A_259 = arith.constant 0 : index
      %get3A_260 = tpu.vector_load %arg5[%get3A_257, %get3A_258, %get3A_259] {strides = array<i32>} : memref<2x128x100xf32, #tpu.memory_space<vmem>>, vector<1x1x16xf32>,
      %get3A_261 = vector.shape_cast %get3A_260 : vector<1x1x16xf32> to vector<16xf32>
      %get3A_262 = arith.constant 0 : i32
      %get3A_263 = arith.index_cast %get3A_262 : i32 to index
      %get3A_264 = arith.index_cast %scan3A_254 : i32 to index
      %get3A_265 = arith.constant 0 : index
      %get3A_266 = tpu.vector_load %arg6[%get3A_263, %get3A_264, %get3A_265] {strides = array<i32>} : memref<2x128x100xi32, #tpu.memory_space<vmem>>, vector<1x1x16xi32>,
      %get3A_267 = vector.shape_cast %get3A_266 : vector<1x1x16xi32> to vector<16xi32>
      %gt3A = arith.constant 0.000000e+00 : f32
      %gt3A_268 = vector.broadcast %gt3A : f32 to vector<16xf32>
      %gt3A_269 = arith.cmpf ogt, %get3A_261, %gt3A_268 : vector<16xf32>
      %add3A_270 = arith.constant 65536 : i32
      %add3A_271 = vector.broadcast %add3A_270 : i32 to vector<16xi32>
      %add3A_272 = arith.addi %get3A_267, %add3A_271 : vector<16xi32>
      %select_n3A = arith.select %gt3A_269, %add3A_272, %broadcast_in_dim3A_3 : vector<16xi1>, vector<16xi32>
      %add3A_273 = arith.addi %scan3A_255, %select_n3A : vector<16xi32>
      %add3A_274 = arith.addi %scan3A_256, %get3A_267 : vector<16xi32>
      %get3A_275 = arith.constant 0 : i32
      %get3A_276 = arith.index_cast %get3A_275 : i32 to index
      %get3A_277 = arith.index_cast %scan3A_254 : i32 to index
      %get3A_278 = arith.constant 16 : index
      %get3A_279 = tpu.vector_load %arg5[%get3A_276, %get3A_277, %get3A_278] {strides = array<i32>} : memref<2x128x100xf32, #tpu.memory_space<vmem>>, vector<1x1x16xf32>,
      %get3A_280 = vector.shape_cast %get3A_279 : vector<1x1x16xf32> to vector<16xf32>
      %get3A_281 = arith.constant 0 : i32
      %get3A_282 = arith.index_cast %get3A_281 : i32 to index
      %get3A_283 = arith.index_cast %scan3A_254 : i32 to index
      %get3A_284 = arith.constant 16 : index
      %get3A_285 = tpu.vector_load %arg6[%get3A_282, %get3A_283, %get3A_284] {strides = array<i32>} : memref<2x128x100xi32, #tpu.memory_space<vmem>>, vector<1x1x16xi32>,
      %get3A_286 = vector.shape_cast %get3A_285 : vector<1x1x16xi32> to vector<16xi32>
      %gt3A_287 = arith.constant 0.000000e+00 : f32
      %gt3A_288 = vector.broadcast %gt3A_287 : f32 to vector<16xf32>
      %gt3A_289 = arith.cmpf ogt, %get3A_280, %gt3A_288 : vector<16xf32>
      %add3A_290 = arith.constant 65536 : i32
      %add3A_291 = vector.broadcast %add3A_290 : i32 to vector<16xi32>
      %add3A_292 = arith.addi %get3A_286, %add3A_291 : vector<16xi32>
      %select_n3A_293 = arith.select %gt3A_289, %add3A_292, %broadcast_in_dim3A_3 : vector<16xi1>, vector<16xi32>
      %add3A_294 = arith.addi %add3A_273, %select_n3A_293 : vector<16xi32>
      %add3A_295 = arith.addi %add3A_274, %get3A_286 : vector<16xi32>
      %get3A_296 = arith.constant 0 : i32
      %get3A_297 = arith.index_cast %get3A_296 : i32 to index
      %get3A_298 = arith.index_cast %scan3A_254 : i32 to index
      %get3A_299 = arith.constant 32 : index
      %get3A_300 = tpu.vector_load %arg5[%get3A_297, %get3A_298, %get3A_299] {strides = array<i32>} : memref<2x128x100xf32, #tpu.memory_space<vmem>>, vector<1x1x16xf32>,
      %get3A_301 = vector.shape_cast %get3A_300 : vector<1x1x16xf32> to vector<16xf32>
      %get3A_302 = arith.constant 0 : i32
      %get3A_303 = arith.index_cast %get3A_302 : i32 to index
      %get3A_304 = arith.index_cast %scan3A_254 : i32 to index
      %get3A_305 = arith.constant 32 : index
      %get3A_306 = tpu.vector_load %arg6[%get3A_303, %get3A_304, %get3A_305] {strides = array<i32>} : memref<2x128x100xi32, #tpu.memory_space<vmem>>, vector<1x1x16xi32>,
      %get3A_307 = vector.shape_cast %get3A_306 : vector<1x1x16xi32> to vector<16xi32>
      %gt3A_308 = arith.constant 0.000000e+00 : f32
      %gt3A_309 = vector.broadcast %gt3A_308 : f32 to vector<16xf32>
      %gt3A_310 = arith.cmpf ogt, %get3A_301, %gt3A_309 : vector<16xf32>
      %add3A_311 = arith.constant 65536 : i32
      %add3A_312 = vector.broadcast %add3A_311 : i32 to vector<16xi32>
      %add3A_313 = arith.addi %get3A_307, %add3A_312 : vector<16xi32>
      %select_n3A_314 = arith.select %gt3A_310, %add3A_313, %broadcast_in_dim3A_3 : vector<16xi1>, vector<16xi32>
      %add3A_315 = arith.addi %add3A_294, %select_n3A_314 : vector<16xi32>
      %add3A_316 = arith.addi %add3A_295, %get3A_307 : vector<16xi32>
      %get3A_317 = arith.constant 0 : i32
      %get3A_318 = arith.index_cast %get3A_317 : i32 to index
      %get3A_319 = arith.index_cast %scan3A_254 : i32 to index
      %get3A_320 = arith.constant 48 : index
      %get3A_321 = tpu.vector_load %arg5[%get3A_318, %get3A_319, %get3A_320] {strides = array<i32>} : memref<2x128x100xf32, #tpu.memory_space<vmem>>, vector<1x1x16xf32>,
      %get3A_322 = vector.shape_cast %get3A_321 : vector<1x1x16xf32> to vector<16xf32>
      %get3A_323 = arith.constant 0 : i32
      %get3A_324 = arith.index_cast %get3A_323 : i32 to index
      %get3A_325 = arith.index_cast %scan3A_254 : i32 to index
      %get3A_326 = arith.constant 48 : index
      %get3A_327 = tpu.vector_load %arg6[%get3A_324, %get3A_325, %get3A_326] {strides = array<i32>} : memref<2x128x100xi32, #tpu.memory_space<vmem>>, vector<1x1x16xi32>,
      %get3A_328 = vector.shape_cast %get3A_327 : vector<1x1x16xi32> to vector<16xi32>
      %gt3A_329 = arith.constant 0.000000e+00 : f32
      %gt3A_330 = vector.broadcast %gt3A_329 : f32 to vector<16xf32>
      %gt3A_331 = arith.cmpf ogt, %get3A_322, %gt3A_330 : vector<16xf32>
      %add3A_332 = arith.constant 65536 : i32
      %add3A_333 = vector.broadcast %add3A_332 : i32 to vector<16xi32>
      %add3A_334 = arith.addi %get3A_328, %add3A_333 : vector<16xi32>
      %select_n3A_335 = arith.select %gt3A_331, %add3A_334, %broadcast_in_dim3A_3 : vector<16xi1>, vector<16xi32>
      %add3A_336 = arith.addi %add3A_315, %select_n3A_335 : vector<16xi32>
      %add3A_337 = arith.addi %add3A_316, %get3A_328 : vector<16xi32>
      %get3A_338 = arith.constant 0 : i32
      %get3A_339 = arith.index_cast %get3A_338 : i32 to index
      %get3A_340 = arith.index_cast %scan3A_254 : i32 to index
      %get3A_341 = arith.constant 64 : index
      %get3A_342 = tpu.vector_load %arg5[%get3A_339, %get3A_340, %get3A_341] {strides = array<i32>} : memref<2x128x100xf32, #tpu.memory_space<vmem>>, vector<1x1x16xf32>,
      %get3A_343 = vector.shape_cast %get3A_342 : vector<1x1x16xf32> to vector<16xf32>
      %get3A_344 = arith.constant 0 : i32
      %get3A_345 = arith.index_cast %get3A_344 : i32 to index
      %get3A_346 = arith.index_cast %scan3A_254 : i32 to index
      %get3A_347 = arith.constant 64 : index
      %get3A_348 = tpu.vector_load %arg6[%get3A_345, %get3A_346, %get3A_347] {strides = array<i32>} : memref<2x128x100xi32, #tpu.memory_space<vmem>>, vector<1x1x16xi32>,
      %get3A_349 = vector.shape_cast %get3A_348 : vector<1x1x16xi32> to vector<16xi32>
      %gt3A_350 = arith.constant 0.000000e+00 : f32
      %gt3A_351 = vector.broadcast %gt3A_350 : f32 to vector<16xf32>
      %gt3A_352 = arith.cmpf ogt, %get3A_343, %gt3A_351 : vector<16xf32>
      %add3A_353 = arith.constant 65536 : i32
      %add3A_354 = vector.broadcast %add3A_353 : i32 to vector<16xi32>
      %add3A_355 = arith.addi %get3A_349, %add3A_354 : vector<16xi32>
      %select_n3A_356 = arith.select %gt3A_352, %add3A_355, %broadcast_in_dim3A_3 : vector<16xi1>, vector<16xi32>
      %add3A_357 = arith.addi %add3A_336, %select_n3A_356 : vector<16xi32>
      %add3A_358 = arith.addi %add3A_337, %get3A_349 : vector<16xi32>
      %get3A_359 = arith.constant 0 : i32
      %get3A_360 = arith.index_cast %get3A_359 : i32 to index
      %get3A_361 = arith.index_cast %scan3A_254 : i32 to index
      %get3A_362 = arith.constant 80 : index
      %get3A_363 = tpu.vector_load %arg5[%get3A_360, %get3A_361, %get3A_362] {strides = array<i32>} : memref<2x128x100xf32, #tpu.memory_space<vmem>>, vector<1x1x16xf32>,
      %get3A_364 = vector.shape_cast %get3A_363 : vector<1x1x16xf32> to vector<16xf32>
      %get3A_365 = arith.constant 0 : i32
      %get3A_366 = arith.index_cast %get3A_365 : i32 to index
      %get3A_367 = arith.index_cast %scan3A_254 : i32 to index
      %get3A_368 = arith.constant 80 : index
      %get3A_369 = tpu.vector_load %arg6[%get3A_366, %get3A_367, %get3A_368] {strides = array<i32>} : memref<2x128x100xi32, #tpu.memory_space<vmem>>, vector<1x1x16xi32>,
      %get3A_370 = vector.shape_cast %get3A_369 : vector<1x1x16xi32> to vector<16xi32>
      %gt3A_371 = arith.constant 0.000000e+00 : f32
      %gt3A_372 = vector.broadcast %gt3A_371 : f32 to vector<16xf32>
      %gt3A_373 = arith.cmpf ogt, %get3A_364, %gt3A_372 : vector<16xf32>
      %add3A_374 = arith.constant 65536 : i32
      %add3A_375 = vector.broadcast %add3A_374 : i32 to vector<16xi32>
      %add3A_376 = arith.addi %get3A_370, %add3A_375 : vector<16xi32>
      %select_n3A_377 = arith.select %gt3A_373, %add3A_376, %broadcast_in_dim3A_3 : vector<16xi1>, vector<16xi32>
      %add3A_378 = arith.addi %add3A_357, %select_n3A_377 : vector<16xi32>
      %add3A_379 = arith.addi %add3A_358, %get3A_370 : vector<16xi32>
      %get3A_380 = arith.constant 0 : i32
      %get3A_381 = arith.index_cast %get3A_380 : i32 to index
      %get3A_382 = arith.index_cast %scan3A_254 : i32 to index
      %get3A_383 = arith.constant 84 : index
      %get3A_384 = tpu.vector_load %arg5[%get3A_381, %get3A_382, %get3A_383] {strides = array<i32>} : memref<2x128x100xf32, #tpu.memory_space<vmem>>, vector<1x1x16xf32>,
      %get3A_385 = vector.shape_cast %get3A_384 : vector<1x1x16xf32> to vector<16xf32>
      %get3A_386 = arith.constant 0 : i32
      %get3A_387 = arith.index_cast %get3A_386 : i32 to index
      %get3A_388 = arith.index_cast %scan3A_254 : i32 to index
      %get3A_389 = arith.constant 84 : index
      %get3A_390 = tpu.vector_load %arg6[%get3A_387, %get3A_388, %get3A_389] {strides = array<i32>} : memref<2x128x100xi32, #tpu.memory_space<vmem>>, vector<1x1x16xi32>,
      %get3A_391 = vector.shape_cast %get3A_390 : vector<1x1x16xi32> to vector<16xi32>
      %gt3A_392 = arith.constant 0.000000e+00 : f32
      %gt3A_393 = vector.broadcast %gt3A_392 : f32 to vector<16xf32>
      %gt3A_394 = arith.cmpf ogt, %get3A_385, %gt3A_393 : vector<16xf32>
      %and3A = arith.andi %gt3A_394, %ge3A_5 : vector<16xi1>
      %add3A_395 = arith.constant 65536 : i32
      %add3A_396 = vector.broadcast %add3A_395 : i32 to vector<16xi32>
      %add3A_397 = arith.addi %get3A_391, %add3A_396 : vector<16xi32>
      %select_n3A_398 = arith.select %and3A, %add3A_397, %broadcast_in_dim3A_3 : vector<16xi1>, vector<16xi32>
      %add3A_399 = arith.addi %add3A_378, %select_n3A_398 : vector<16xi32>
      %select_n3A_400 = arith.select %ge3A_5, %get3A_391, %broadcast_in_dim3A_3 : vector<16xi1>, vector<16xi32>
      %add3A_401 = arith.addi %add3A_379, %select_n3A_400 : vector<16xi32>
      %scan3A_402 = arith.constant 1 : i32
      %scan3A_403 = arith.addi %scan3A_254, %scan3A_402 : i32
      %get3A_404 = arith.constant 0 : i32
      %get3A_405 = arith.index_cast %get3A_404 : i32 to index
      %get3A_406 = arith.index_cast %scan3A_403 : i32 to index
      %get3A_407 = arith.constant 0 : index
      %get3A_408 = tpu.vector_load %arg5[%get3A_405, %get3A_406, %get3A_407] {strides = array<i32>} : memref<2x128x100xf32, #tpu.memory_space<vmem>>, vector<1x1x16xf32>,
      %get3A_409 = vector.shape_cast %get3A_408 : vector<1x1x16xf32> to vector<16xf32>
      %get3A_410 = arith.constant 0 : i32
      %get3A_411 = arith.index_cast %get3A_410 : i32 to index
      %get3A_412 = arith.index_cast %scan3A_403 : i32 to index
      %get3A_413 = arith.constant 0 : index
      %get3A_414 = tpu.vector_load %arg6[%get3A_411, %get3A_412, %get3A_413] {strides = array<i32>} : memref<2x128x100xi32, #tpu.memory_space<vmem>>, vector<1x1x16xi32>,
      %get3A_415 = vector.shape_cast %get3A_414 : vector<1x1x16xi32> to vector<16xi32>
      %gt3A_416 = arith.constant 0.000000e+00 : f32
      %gt3A_417 = vector.broadcast %gt3A_416 : f32 to vector<16xf32>
      %gt3A_418 = arith.cmpf ogt, %get3A_409, %gt3A_417 : vector<16xf32>
      %add3A_419 = arith.constant 65536 : i32
      %add3A_420 = vector.broadcast %add3A_419 : i32 to vector<16xi32>
      %add3A_421 = arith.addi %get3A_415, %add3A_420 : vector<16xi32>
      %select_n3A_422 = arith.select %gt3A_418, %add3A_421, %broadcast_in_dim3A_3 : vector<16xi1>, vector<16xi32>
      %add3A_423 = arith.addi %add3A_399, %select_n3A_422 : vector<16xi32>
      %add3A_424 = arith.addi %add3A_401, %get3A_415 : vector<16xi32>
      %get3A_425 = arith.constant 0 : i32
      %get3A_426 = arith.index_cast %get3A_425 : i32 to index
      %get3A_427 = arith.index_cast %scan3A_403 : i32 to index
      %get3A_428 = arith.constant 16 : index
      %get3A_429 = tpu.vector_load %arg5[%get3A_426, %get3A_427, %get3A_428] {strides = array<i32>} : memref<2x128x100xf32, #tpu.memory_space<vmem>>, vector<1x1x16xf32>,
      %get3A_430 = vector.shape_cast %get3A_429 : vector<1x1x16xf32> to vector<16xf32>
      %get3A_431 = arith.constant 0 : i32
      %get3A_432 = arith.index_cast %get3A_431 : i32 to index
      %get3A_433 = arith.index_cast %scan3A_403 : i32 to index
      %get3A_434 = arith.constant 16 : index
      %get3A_435 = tpu.vector_load %arg6[%get3A_432, %get3A_433, %get3A_434] {strides = array<i32>} : memref<2x128x100xi32, #tpu.memory_space<vmem>>, vector<1x1x16xi32>,
      %get3A_436 = vector.shape_cast %get3A_435 : vector<1x1x16xi32> to vector<16xi32>
      %gt3A_437 = arith.constant 0.000000e+00 : f32
      %gt3A_438 = vector.broadcast %gt3A_437 : f32 to vector<16xf32>
      %gt3A_439 = arith.cmpf ogt, %get3A_430, %gt3A_438 : vector<16xf32>
      %add3A_440 = arith.constant 65536 : i32
      %add3A_441 = vector.broadcast %add3A_440 : i32 to vector<16xi32>
      %add3A_442 = arith.addi %get3A_436, %add3A_441 : vector<16xi32>
      %select_n3A_443 = arith.select %gt3A_439, %add3A_442, %broadcast_in_dim3A_3 : vector<16xi1>, vector<16xi32>
      %add3A_444 = arith.addi %add3A_423, %select_n3A_443 : vector<16xi32>
      %add3A_445 = arith.addi %add3A_424, %get3A_436 : vector<16xi32>
      %get3A_446 = arith.constant 0 : i32
      %get3A_447 = arith.index_cast %get3A_446 : i32 to index
      %get3A_448 = arith.index_cast %scan3A_403 : i32 to index
      %get3A_449 = arith.constant 32 : index
      %get3A_450 = tpu.vector_load %arg5[%get3A_447, %get3A_448, %get3A_449] {strides = array<i32>} : memref<2x128x100xf32, #tpu.memory_space<vmem>>, vector<1x1x16xf32>,
      %get3A_451 = vector.shape_cast %get3A_450 : vector<1x1x16xf32> to vector<16xf32>
      %get3A_452 = arith.constant 0 : i32
      %get3A_453 = arith.index_cast %get3A_452 : i32 to index
      %get3A_454 = arith.index_cast %scan3A_403 : i32 to index
      %get3A_455 = arith.constant 32 : index
      %get3A_456 = tpu.vector_load %arg6[%get3A_453, %get3A_454, %get3A_455] {strides = array<i32>} : memref<2x128x100xi32, #tpu.memory_space<vmem>>, vector<1x1x16xi32>,
      %get3A_457 = vector.shape_cast %get3A_456 : vector<1x1x16xi32> to vector<16xi32>
      %gt3A_458 = arith.constant 0.000000e+00 : f32
      %gt3A_459 = vector.broadcast %gt3A_458 : f32 to vector<16xf32>
      %gt3A_460 = arith.cmpf ogt, %get3A_451, %gt3A_459 : vector<16xf32>
      %add3A_461 = arith.constant 65536 : i32
      %add3A_462 = vector.broadcast %add3A_461 : i32 to vector<16xi32>
      %add3A_463 = arith.addi %get3A_457, %add3A_462 : vector<16xi32>
      %select_n3A_464 = arith.select %gt3A_460, %add3A_463, %broadcast_in_dim3A_3 : vector<16xi1>, vector<16xi32>
      %add3A_465 = arith.addi %add3A_444, %select_n3A_464 : vector<16xi32>
      %add3A_466 = arith.addi %add3A_445, %get3A_457 : vector<16xi32>
      %get3A_467 = arith.constant 0 : i32
      %get3A_468 = arith.index_cast %get3A_467 : i32 to index
      %get3A_469 = arith.index_cast %scan3A_403 : i32 to index
      %get3A_470 = arith.constant 48 : index
      %get3A_471 = tpu.vector_load %arg5[%get3A_468, %get3A_469, %get3A_470] {strides = array<i32>} : memref<2x128x100xf32, #tpu.memory_space<vmem>>, vector<1x1x16xf32>,
      %get3A_472 = vector.shape_cast %get3A_471 : vector<1x1x16xf32> to vector<16xf32>
      %get3A_473 = arith.constant 0 : i32
      %get3A_474 = arith.index_cast %get3A_473 : i32 to index
      %get3A_475 = arith.index_cast %scan3A_403 : i32 to index
      %get3A_476 = arith.constant 48 : index
      %get3A_477 = tpu.vector_load %arg6[%get3A_474, %get3A_475, %get3A_476] {strides = array<i32>} : memref<2x128x100xi32, #tpu.memory_space<vmem>>, vector<1x1x16xi32>,
      %get3A_478 = vector.shape_cast %get3A_477 : vector<1x1x16xi32> to vector<16xi32>
      %gt3A_479 = arith.constant 0.000000e+00 : f32
      %gt3A_480 = vector.broadcast %gt3A_479 : f32 to vector<16xf32>
      %gt3A_481 = arith.cmpf ogt, %get3A_472, %gt3A_480 : vector<16xf32>
      %add3A_482 = arith.constant 65536 : i32
      %add3A_483 = vector.broadcast %add3A_482 : i32 to vector<16xi32>
      %add3A_484 = arith.addi %get3A_478, %add3A_483 : vector<16xi32>
      %select_n3A_485 = arith.select %gt3A_481, %add3A_484, %broadcast_in_dim3A_3 : vector<16xi1>, vector<16xi32>
      %add3A_486 = arith.addi %add3A_465, %select_n3A_485 : vector<16xi32>
      %add3A_487 = arith.addi %add3A_466, %get3A_478 : vector<16xi32>
      %get3A_488 = arith.constant 0 : i32
      %get3A_489 = arith.index_cast %get3A_488 : i32 to index
      %get3A_490 = arith.index_cast %scan3A_403 : i32 to index
      %get3A_491 = arith.constant 64 : index
      %get3A_492 = tpu.vector_load %arg5[%get3A_489, %get3A_490, %get3A_491] {strides = array<i32>} : memref<2x128x100xf32, #tpu.memory_space<vmem>>, vector<1x1x16xf32>,
      %get3A_493 = vector.shape_cast %get3A_492 : vector<1x1x16xf32> to vector<16xf32>
      %get3A_494 = arith.constant 0 : i32
      %get3A_495 = arith.index_cast %get3A_494 : i32 to index
      %get3A_496 = arith.index_cast %scan3A_403 : i32 to index
      %get3A_497 = arith.constant 64 : index
      %get3A_498 = tpu.vector_load %arg6[%get3A_495, %get3A_496, %get3A_497] {strides = array<i32>} : memref<2x128x100xi32, #tpu.memory_space<vmem>>, vector<1x1x16xi32>,
      %get3A_499 = vector.shape_cast %get3A_498 : vector<1x1x16xi32> to vector<16xi32>
      %gt3A_500 = arith.constant 0.000000e+00 : f32
      %gt3A_501 = vector.broadcast %gt3A_500 : f32 to vector<16xf32>
      %gt3A_502 = arith.cmpf ogt, %get3A_493, %gt3A_501 : vector<16xf32>
      %add3A_503 = arith.constant 65536 : i32
      %add3A_504 = vector.broadcast %add3A_503 : i32 to vector<16xi32>
      %add3A_505 = arith.addi %get3A_499, %add3A_504 : vector<16xi32>
      %select_n3A_506 = arith.select %gt3A_502, %add3A_505, %broadcast_in_dim3A_3 : vector<16xi1>, vector<16xi32>
      %add3A_507 = arith.addi %add3A_486, %select_n3A_506 : vector<16xi32>
      %add3A_508 = arith.addi %add3A_487, %get3A_499 : vector<16xi32>
      %get3A_509 = arith.constant 0 : i32
      %get3A_510 = arith.index_cast %get3A_509 : i32 to index
      %get3A_511 = arith.index_cast %scan3A_403 : i32 to index
      %get3A_512 = arith.constant 80 : index
      %get3A_513 = tpu.vector_load %arg5[%get3A_510, %get3A_511, %get3A_512] {strides = array<i32>} : memref<2x128x100xf32, #tpu.memory_space<vmem>>, vector<1x1x16xf32>,
      %get3A_514 = vector.shape_cast %get3A_513 : vector<1x1x16xf32> to vector<16xf32>
      %get3A_515 = arith.constant 0 : i32
      %get3A_516 = arith.index_cast %get3A_515 : i32 to index
      %get3A_517 = arith.index_cast %scan3A_403 : i32 to index
      %get3A_518 = arith.constant 80 : index
      %get3A_519 = tpu.vector_load %arg6[%get3A_516, %get3A_517, %get3A_518] {strides = array<i32>} : memref<2x128x100xi32, #tpu.memory_space<vmem>>, vector<1x1x16xi32>,
      %get3A_520 = vector.shape_cast %get3A_519 : vector<1x1x16xi32> to vector<16xi32>
      %gt3A_521 = arith.constant 0.000000e+00 : f32
      %gt3A_522 = vector.broadcast %gt3A_521 : f32 to vector<16xf32>
      %gt3A_523 = arith.cmpf ogt, %get3A_514, %gt3A_522 : vector<16xf32>
      %add3A_524 = arith.constant 65536 : i32
      %add3A_525 = vector.broadcast %add3A_524 : i32 to vector<16xi32>
      %add3A_526 = arith.addi %get3A_520, %add3A_525 : vector<16xi32>
      %select_n3A_527 = arith.select %gt3A_523, %add3A_526, %broadcast_in_dim3A_3 : vector<16xi1>, vector<16xi32>
      %add3A_528 = arith.addi %add3A_507, %select_n3A_527 : vector<16xi32>
      %add3A_529 = arith.addi %add3A_508, %get3A_520 : vector<16xi32>
      %get3A_530 = arith.constant 0 : i32
      %get3A_531 = arith.index_cast %get3A_530 : i32 to index
      %get3A_532 = arith.index_cast %scan3A_403 : i32 to index
      %get3A_533 = arith.constant 84 : index
      %get3A_534 = tpu.vector_load %arg5[%get3A_531, %get3A_532, %get3A_533] {strides = array<i32>} : memref<2x128x100xf32, #tpu.memory_space<vmem>>, vector<1x1x16xf32>,
      %get3A_535 = vector.shape_cast %get3A_534 : vector<1x1x16xf32> to vector<16xf32>
      %get3A_536 = arith.constant 0 : i32
      %get3A_537 = arith.index_cast %get3A_536 : i32 to index
      %get3A_538 = arith.index_cast %scan3A_403 : i32 to index
      %get3A_539 = arith.constant 84 : index
      %get3A_540 = tpu.vector_load %arg6[%get3A_537, %get3A_538, %get3A_539] {strides = array<i32>} : memref<2x128x100xi32, #tpu.memory_space<vmem>>, vector<1x1x16xi32>,
      %get3A_541 = vector.shape_cast %get3A_540 : vector<1x1x16xi32> to vector<16xi32>
      %gt3A_542 = arith.constant 0.000000e+00 : f32
      %gt3A_543 = vector.broadcast %gt3A_542 : f32 to vector<16xf32>
      %gt3A_544 = arith.cmpf ogt, %get3A_535, %gt3A_543 : vector<16xf32>
      %and3A_545 = arith.andi %gt3A_544, %ge3A_5 : vector<16xi1>
      %add3A_546 = arith.constant 65536 : i32
      %add3A_547 = vector.broadcast %add3A_546 : i32 to vector<16xi32>
      %add3A_548 = arith.addi %get3A_541, %add3A_547 : vector<16xi32>
      %select_n3A_549 = arith.select %and3A_545, %add3A_548, %broadcast_in_dim3A_3 : vector<16xi1>, vector<16xi32>
      %add3A_550 = arith.addi %add3A_528, %select_n3A_549 : vector<16xi32>
      %select_n3A_551 = arith.select %ge3A_5, %get3A_541, %broadcast_in_dim3A_3 : vector<16xi1>, vector<16xi32>
      %add3A_552 = arith.addi %add3A_529, %select_n3A_551 : vector<16xi32>
      scf.yield %add3A_550, %add3A_552 : vector<16xi32>, vector<16xi32>
    }
    %scan3A_90 = arith.constant 128 : i32
    %add3A_91 = arith.constant 256 : i32
    %add3A_92 = arith.addi %mul3A_2, %add3A_91 : i32
    %dma_start3A_93 = arith.constant 0 : i32
    %dma_start3A_94 = arith.constant 0 : i32
    %dma_start3A_95 = arith.constant 0 : i32
    %dma_start3A_96 = tpu.memref_slice %arg5[%dma_start3A_93, %dma_start3A_94, %dma_start3A_95] : memref<2x128x100xf32, #tpu.memory_space<vmem>> -> memref<1x128x100xf32, #tpu.memory_space<vmem>>
    %dma_start3A_97 = tpu.memref_squeeze %dma_start3A_96 : memref<1x128x100xf32, #tpu.memory_space<vmem>> -> memref<128x100xf32, #tpu.memory_space<vmem>>
    %dma_start3A_98 = arith.constant 0 : i32
    %dma_start3A_99 = tpu.memref_slice %arg2[%add3A_92, %dma_start3A_98] : memref<16384x100xf32, #tpu.memory_space<hbm>> -> memref<128x100xf32, #tpu.memory_space<hbm>>
    %dma_start3A_100 = arith.constant 0 : i32
    %dma_start3A_101 = arith.constant 0 : i32
    %dma_start3A_102 = tpu.memref_slice %arg5[%dma_start3A_93, %dma_start3A_100, %dma_start3A_101] : memref<2x128x100xf32, #tpu.memory_space<vmem>> -> memref<1x128x100xf32, #tpu.memory_space<vmem>>
    %dma_start3A_103 = tpu.memref_squeeze %dma_start3A_102 : memref<1x128x100xf32, #tpu.memory_space<vmem>> -> memref<128x100xf32, #tpu.memory_space<vmem>>
    %dma_start3A_104 = arith.constant 0 : i32
    %dma_start3A_105 = tpu.memref_slice %arg2[%add3A_92, %dma_start3A_104] : memref<16384x100xf32, #tpu.memory_space<hbm>> -> memref<128x100xf32, #tpu.memory_space<hbm>>
    tpu.enqueue_dma source(%dma_start3A_105 : memref<128x100xf32, #tpu.memory_space<hbm>>) target(%dma_start3A_103 : memref<128x100xf32, #tpu.memory_space<vmem>>) target_semaphore(%arg8 : memref<!tpu.dma_semaphore, #tpu.memory_space<semaphore_mem>>)
    %dma_start3A_106 = arith.constant 0 : i32
    %dma_start3A_107 = arith.constant 0 : i32
    %dma_start3A_108 = arith.constant 0 : i32
    %dma_start3A_109 = tpu.memref_slice %arg6[%dma_start3A_106, %dma_start3A_107, %dma_start3A_108] : memref<2x128x100xi32, #tpu.memory_space<vmem>> -> memref<1x128x100xi32, #tpu.memory_space<vmem>>
    %dma_start3A_110 = tpu.memref_squeeze %dma_start3A_109 : memref<1x128x100xi32, #tpu.memory_space<vmem>> -> memref<128x100xi32, #tpu.memory_space<vmem>>
    %dma_start3A_111 = arith.constant 0 : i32
    %dma_start3A_112 = tpu.memref_slice %arg3[%add3A_92, %dma_start3A_111] : memref<16384x100xi32, #tpu.memory_space<hbm>> -> memref<128x100xi32, #tpu.memory_space<hbm>>
    %dma_start3A_113 = arith.constant 0 : i32
    %dma_start3A_114 = arith.constant 0 : i32
    %dma_start3A_115 = tpu.memref_slice %arg6[%dma_start3A_106, %dma_start3A_113, %dma_start3A_114] : memref<2x128x100xi32, #tpu.memory_space<vmem>> -> memref<1x128x100xi32, #tpu.memory_space<vmem>>
    %dma_start3A_116 = tpu.memref_squeeze %dma_start3A_115 : memref<1x128x100xi32, #tpu.memory_space<vmem>> -> memref<128x100xi32, #tpu.memory_space<vmem>>
    %dma_start3A_117 = arith.constant 0 : i32
    %dma_start3A_118 = tpu.memref_slice %arg3[%add3A_92, %dma_start3A_117] : memref<16384x100xi32, #tpu.memory_space<hbm>> -> memref<128x100xi32, #tpu.memory_space<hbm>>
    tpu.enqueue_dma source(%dma_start3A_118 : memref<128x100xi32, #tpu.memory_space<hbm>>) target(%dma_start3A_116 : memref<128x100xi32, #tpu.memory_space<vmem>>) target_semaphore(%arg8 : memref<!tpu.dma_semaphore, #tpu.memory_space<semaphore_mem>>)
    %dma_wait3A_119 = arith.constant 1 : i32
    %dma_wait3A_120 = arith.constant 0 : i32
    %dma_wait3A_121 = arith.constant 0 : i32
    %dma_wait3A_122 = tpu.memref_slice %arg5[%dma_wait3A_119, %dma_wait3A_120, %dma_wait3A_121] : memref<2x128x100xf32, #tpu.memory_space<vmem>> -> memref<1x128x100xf32, #tpu.memory_space<vmem>>
    %dma_wait3A_123 = tpu.memref_squeeze %dma_wait3A_122 : memref<1x128x100xf32, #tpu.memory_space<vmem>> -> memref<128x100xf32, #tpu.memory_space<vmem>>
    %dma_wait3A_124 = arith.constant 0 : i32
    %dma_wait3A_125 = tpu.memref_slice %arg2[%add3A_34, %dma_wait3A_124] : memref<16384x100xf32, #tpu.memory_space<hbm>> -> memref<128x100xf32, #tpu.memory_space<hbm>>
    %dma_wait3A_126 = arith.constant 0 : i32
    %dma_wait3A_127 = arith.constant 0 : i32
    %dma_wait3A_128 = tpu.memref_slice %arg5[%dma_wait3A_119, %dma_wait3A_126, %dma_wait3A_127] : memref<2x128x100xf32, #tpu.memory_space<vmem>> -> memref<1x128x100xf32, #tpu.memory_space<vmem>>
    %dma_wait3A_129 = tpu.memref_squeeze %dma_wait3A_128 : memref<1x128x100xf32, #tpu.memory_space<vmem>> -> memref<128x100xf32, #tpu.memory_space<vmem>>
    %dma_wait3A_130 = arith.constant 0 : i32
    %dma_wait3A_131 = tpu.memref_slice %arg2[%add3A_34, %dma_wait3A_130] : memref<16384x100xf32, #tpu.memory_space<hbm>> -> memref<128x100xf32, #tpu.memory_space<hbm>>
    tpu.wait_dma2 semaphore(%arg9 : memref<!tpu.dma_semaphore, #tpu.memory_space<semaphore_mem>>) src(%dma_wait3A_131 : memref<128x100xf32, #tpu.memory_space<hbm>>) dst(%dma_wait3A_129 : memref<128x100xf32, #tpu.memory_space<vmem>>)
    %dma_wait3A_132 = arith.constant 1 : i32
    %dma_wait3A_133 = arith.constant 0 : i32
    %dma_wait3A_134 = arith.constant 0 : i32
    %dma_wait3A_135 = tpu.memref_slice %arg6[%dma_wait3A_132, %dma_wait3A_133, %dma_wait3A_134] : memref<2x128x100xi32, #tpu.memory_space<vmem>> -> memref<1x128x100xi32, #tpu.memory_space<vmem>>
    %dma_wait3A_136 = tpu.memref_squeeze %dma_wait3A_135 : memref<1x128x100xi32, #tpu.memory_space<vmem>> -> memref<128x100xi32, #tpu.memory_space<vmem>>
    %dma_wait3A_137 = arith.constant 0 : i32
    %dma_wait3A_138 = tpu.memref_slice %arg3[%add3A_34, %dma_wait3A_137] : memref<16384x100xi32, #tpu.memory_space<hbm>> -> memref<128x100xi32, #tpu.memory_space<hbm>>
    %dma_wait3A_139 = arith.constant 0 : i32
    %dma_wait3A_140 = arith.constant 0 : i32
    %dma_wait3A_141 = tpu.memref_slice %arg6[%dma_wait3A_132, %dma_wait3A_139, %dma_wait3A_140] : memref<2x128x100xi32, #tpu.memory_space<vmem>> -> memref<1x128x100xi32, #tpu.memory_space<vmem>>
    %dma_wait3A_142 = tpu.memref_squeeze %dma_wait3A_141 : memref<1x128x100xi32, #tpu.memory_space<vmem>> -> memref<128x100xi32, #tpu.memory_space<vmem>>
    %dma_wait3A_143 = arith.constant 0 : i32
    %dma_wait3A_144 = tpu.memref_slice %arg3[%add3A_34, %dma_wait3A_143] : memref<16384x100xi32, #tpu.memory_space<hbm>> -> memref<128x100xi32, #tpu.memory_space<hbm>>
    tpu.wait_dma2 semaphore(%arg9 : memref<!tpu.dma_semaphore, #tpu.memory_space<semaphore_mem>>) src(%dma_wait3A_144 : memref<128x100xi32, #tpu.memory_space<hbm>>) dst(%dma_wait3A_142 : memref<128x100xi32, #tpu.memory_space<vmem>>)
    %scan3A_145 = arith.constant 0 : i32
    %scan3A_146 = arith.constant 128 : i32
    %scan3A_147 = arith.addi %scan3A_145, %scan3A_146 : i32
    %scan3A_148 = arith.constant 2 : i32
    %scan3A_149:2 = scf.for %scan3A_254 = %scan3A_145 to %scan3A_147 step %scan3A_148 iter_args(%scan3A_255 = %scan3A_89#0, %scan3A_256 = %scan3A_89#1) -> (vector<16xi32>, vector<16xi32>)  : i32 {
      %get3A = arith.constant 1 : i32
      %get3A_257 = arith.index_cast %get3A : i32 to index
      %get3A_258 = arith.index_cast %scan3A_254 : i32 to index
      %get3A_259 = arith.constant 0 : index
      %get3A_260 = tpu.vector_load %arg5[%get3A_257, %get3A_258, %get3A_259] {strides = array<i32>} : memref<2x128x100xf32, #tpu.memory_space<vmem>>, vector<1x1x16xf32>,
      %get3A_261 = vector.shape_cast %get3A_260 : vector<1x1x16xf32> to vector<16xf32>
      %get3A_262 = arith.constant 1 : i32
      %get3A_263 = arith.index_cast %get3A_262 : i32 to index
      %get3A_264 = arith.index_cast %scan3A_254 : i32 to index
      %get3A_265 = arith.constant 0 : index
      %get3A_266 = tpu.vector_load %arg6[%get3A_263, %get3A_264, %get3A_265] {strides = array<i32>} : memref<2x128x100xi32, #tpu.memory_space<vmem>>, vector<1x1x16xi32>,
      %get3A_267 = vector.shape_cast %get3A_266 : vector<1x1x16xi32> to vector<16xi32>
      %gt3A = arith.constant 0.000000e+00 : f32
      %gt3A_268 = vector.broadcast %gt3A : f32 to vector<16xf32>
      %gt3A_269 = arith.cmpf ogt, %get3A_261, %gt3A_268 : vector<16xf32>
      %add3A_270 = arith.constant 65536 : i32
      %add3A_271 = vector.broadcast %add3A_270 : i32 to vector<16xi32>
      %add3A_272 = arith.addi %get3A_267, %add3A_271 : vector<16xi32>
      %select_n3A = arith.select %gt3A_269, %add3A_272, %broadcast_in_dim3A_3 : vector<16xi1>, vector<16xi32>
      %add3A_273 = arith.addi %scan3A_255, %select_n3A : vector<16xi32>
      %add3A_274 = arith.addi %scan3A_256, %get3A_267 : vector<16xi32>
      %get3A_275 = arith.constant 1 : i32
      %get3A_276 = arith.index_cast %get3A_275 : i32 to index
      %get3A_277 = arith.index_cast %scan3A_254 : i32 to index
      %get3A_278 = arith.constant 16 : index
      %get3A_279 = tpu.vector_load %arg5[%get3A_276, %get3A_277, %get3A_278] {strides = array<i32>} : memref<2x128x100xf32, #tpu.memory_space<vmem>>, vector<1x1x16xf32>,
      %get3A_280 = vector.shape_cast %get3A_279 : vector<1x1x16xf32> to vector<16xf32>
      %get3A_281 = arith.constant 1 : i32
      %get3A_282 = arith.index_cast %get3A_281 : i32 to index
      %get3A_283 = arith.index_cast %scan3A_254 : i32 to index
      %get3A_284 = arith.constant 16 : index
      %get3A_285 = tpu.vector_load %arg6[%get3A_282, %get3A_283, %get3A_284] {strides = array<i32>} : memref<2x128x100xi32, #tpu.memory_space<vmem>>, vector<1x1x16xi32>,
      %get3A_286 = vector.shape_cast %get3A_285 : vector<1x1x16xi32> to vector<16xi32>
      %gt3A_287 = arith.constant 0.000000e+00 : f32
      %gt3A_288 = vector.broadcast %gt3A_287 : f32 to vector<16xf32>
      %gt3A_289 = arith.cmpf ogt, %get3A_280, %gt3A_288 : vector<16xf32>
      %add3A_290 = arith.constant 65536 : i32
      %add3A_291 = vector.broadcast %add3A_290 : i32 to vector<16xi32>
      %add3A_292 = arith.addi %get3A_286, %add3A_291 : vector<16xi32>
      %select_n3A_293 = arith.select %gt3A_289, %add3A_292, %broadcast_in_dim3A_3 : vector<16xi1>, vector<16xi32>
      %add3A_294 = arith.addi %add3A_273, %select_n3A_293 : vector<16xi32>
      %add3A_295 = arith.addi %add3A_274, %get3A_286 : vector<16xi32>
      %get3A_296 = arith.constant 1 : i32
      %get3A_297 = arith.index_cast %get3A_296 : i32 to index
      %get3A_298 = arith.index_cast %scan3A_254 : i32 to index
      %get3A_299 = arith.constant 32 : index
      %get3A_300 = tpu.vector_load %arg5[%get3A_297, %get3A_298, %get3A_299] {strides = array<i32>} : memref<2x128x100xf32, #tpu.memory_space<vmem>>, vector<1x1x16xf32>,
      %get3A_301 = vector.shape_cast %get3A_300 : vector<1x1x16xf32> to vector<16xf32>
      %get3A_302 = arith.constant 1 : i32
      %get3A_303 = arith.index_cast %get3A_302 : i32 to index
      %get3A_304 = arith.index_cast %scan3A_254 : i32 to index
      %get3A_305 = arith.constant 32 : index
      %get3A_306 = tpu.vector_load %arg6[%get3A_303, %get3A_304, %get3A_305] {strides = array<i32>} : memref<2x128x100xi32, #tpu.memory_space<vmem>>, vector<1x1x16xi32>,
      %get3A_307 = vector.shape_cast %get3A_306 : vector<1x1x16xi32> to vector<16xi32>
      %gt3A_308 = arith.constant 0.000000e+00 : f32
      %gt3A_309 = vector.broadcast %gt3A_308 : f32 to vector<16xf32>
      %gt3A_310 = arith.cmpf ogt, %get3A_301, %gt3A_309 : vector<16xf32>
      %add3A_311 = arith.constant 65536 : i32
      %add3A_312 = vector.broadcast %add3A_311 : i32 to vector<16xi32>
      %add3A_313 = arith.addi %get3A_307, %add3A_312 : vector<16xi32>
      %select_n3A_314 = arith.select %gt3A_310, %add3A_313, %broadcast_in_dim3A_3 : vector<16xi1>, vector<16xi32>
      %add3A_315 = arith.addi %add3A_294, %select_n3A_314 : vector<16xi32>
      %add3A_316 = arith.addi %add3A_295, %get3A_307 : vector<16xi32>
      %get3A_317 = arith.constant 1 : i32
      %get3A_318 = arith.index_cast %get3A_317 : i32 to index
      %get3A_319 = arith.index_cast %scan3A_254 : i32 to index
      %get3A_320 = arith.constant 48 : index
      %get3A_321 = tpu.vector_load %arg5[%get3A_318, %get3A_319, %get3A_320] {strides = array<i32>} : memref<2x128x100xf32, #tpu.memory_space<vmem>>, vector<1x1x16xf32>,
      %get3A_322 = vector.shape_cast %get3A_321 : vector<1x1x16xf32> to vector<16xf32>
      %get3A_323 = arith.constant 1 : i32
      %get3A_324 = arith.index_cast %get3A_323 : i32 to index
      %get3A_325 = arith.index_cast %scan3A_254 : i32 to index
      %get3A_326 = arith.constant 48 : index
      %get3A_327 = tpu.vector_load %arg6[%get3A_324, %get3A_325, %get3A_326] {strides = array<i32>} : memref<2x128x100xi32, #tpu.memory_space<vmem>>, vector<1x1x16xi32>,
      %get3A_328 = vector.shape_cast %get3A_327 : vector<1x1x16xi32> to vector<16xi32>
      %gt3A_329 = arith.constant 0.000000e+00 : f32
      %gt3A_330 = vector.broadcast %gt3A_329 : f32 to vector<16xf32>
      %gt3A_331 = arith.cmpf ogt, %get3A_322, %gt3A_330 : vector<16xf32>
      %add3A_332 = arith.constant 65536 : i32
      %add3A_333 = vector.broadcast %add3A_332 : i32 to vector<16xi32>
      %add3A_334 = arith.addi %get3A_328, %add3A_333 : vector<16xi32>
      %select_n3A_335 = arith.select %gt3A_331, %add3A_334, %broadcast_in_dim3A_3 : vector<16xi1>, vector<16xi32>
      %add3A_336 = arith.addi %add3A_315, %select_n3A_335 : vector<16xi32>
      %add3A_337 = arith.addi %add3A_316, %get3A_328 : vector<16xi32>
      %get3A_338 = arith.constant 1 : i32
      %get3A_339 = arith.index_cast %get3A_338 : i32 to index
      %get3A_340 = arith.index_cast %scan3A_254 : i32 to index
      %get3A_341 = arith.constant 64 : index
      %get3A_342 = tpu.vector_load %arg5[%get3A_339, %get3A_340, %get3A_341] {strides = array<i32>} : memref<2x128x100xf32, #tpu.memory_space<vmem>>, vector<1x1x16xf32>,
      %get3A_343 = vector.shape_cast %get3A_342 : vector<1x1x16xf32> to vector<16xf32>
      %get3A_344 = arith.constant 1 : i32
      %get3A_345 = arith.index_cast %get3A_344 : i32 to index
      %get3A_346 = arith.index_cast %scan3A_254 : i32 to index
      %get3A_347 = arith.constant 64 : index
      %get3A_348 = tpu.vector_load %arg6[%get3A_345, %get3A_346, %get3A_347] {strides = array<i32>} : memref<2x128x100xi32, #tpu.memory_space<vmem>>, vector<1x1x16xi32>,
      %get3A_349 = vector.shape_cast %get3A_348 : vector<1x1x16xi32> to vector<16xi32>
      %gt3A_350 = arith.constant 0.000000e+00 : f32
      %gt3A_351 = vector.broadcast %gt3A_350 : f32 to vector<16xf32>
      %gt3A_352 = arith.cmpf ogt, %get3A_343, %gt3A_351 : vector<16xf32>
      %add3A_353 = arith.constant 65536 : i32
      %add3A_354 = vector.broadcast %add3A_353 : i32 to vector<16xi32>
      %add3A_355 = arith.addi %get3A_349, %add3A_354 : vector<16xi32>
      %select_n3A_356 = arith.select %gt3A_352, %add3A_355, %broadcast_in_dim3A_3 : vector<16xi1>, vector<16xi32>
      %add3A_357 = arith.addi %add3A_336, %select_n3A_356 : vector<16xi32>
      %add3A_358 = arith.addi %add3A_337, %get3A_349 : vector<16xi32>
      %get3A_359 = arith.constant 1 : i32
      %get3A_360 = arith.index_cast %get3A_359 : i32 to index
      %get3A_361 = arith.index_cast %scan3A_254 : i32 to index
      %get3A_362 = arith.constant 80 : index
      %get3A_363 = tpu.vector_load %arg5[%get3A_360, %get3A_361, %get3A_362] {strides = array<i32>} : memref<2x128x100xf32, #tpu.memory_space<vmem>>, vector<1x1x16xf32>,
      %get3A_364 = vector.shape_cast %get3A_363 : vector<1x1x16xf32> to vector<16xf32>
      %get3A_365 = arith.constant 1 : i32
      %get3A_366 = arith.index_cast %get3A_365 : i32 to index
      %get3A_367 = arith.index_cast %scan3A_254 : i32 to index
      %get3A_368 = arith.constant 80 : index
      %get3A_369 = tpu.vector_load %arg6[%get3A_366, %get3A_367, %get3A_368] {strides = array<i32>} : memref<2x128x100xi32, #tpu.memory_space<vmem>>, vector<1x1x16xi32>,
      %get3A_370 = vector.shape_cast %get3A_369 : vector<1x1x16xi32> to vector<16xi32>
      %gt3A_371 = arith.constant 0.000000e+00 : f32
      %gt3A_372 = vector.broadcast %gt3A_371 : f32 to vector<16xf32>
      %gt3A_373 = arith.cmpf ogt, %get3A_364, %gt3A_372 : vector<16xf32>
      %add3A_374 = arith.constant 65536 : i32
      %add3A_375 = vector.broadcast %add3A_374 : i32 to vector<16xi32>
      %add3A_376 = arith.addi %get3A_370, %add3A_375 : vector<16xi32>
      %select_n3A_377 = arith.select %gt3A_373, %add3A_376, %broadcast_in_dim3A_3 : vector<16xi1>, vector<16xi32>
      %add3A_378 = arith.addi %add3A_357, %select_n3A_377 : vector<16xi32>
      %add3A_379 = arith.addi %add3A_358, %get3A_370 : vector<16xi32>
      %get3A_380 = arith.constant 1 : i32
      %get3A_381 = arith.index_cast %get3A_380 : i32 to index
      %get3A_382 = arith.index_cast %scan3A_254 : i32 to index
      %get3A_383 = arith.constant 84 : index
      %get3A_384 = tpu.vector_load %arg5[%get3A_381, %get3A_382, %get3A_383] {strides = array<i32>} : memref<2x128x100xf32, #tpu.memory_space<vmem>>, vector<1x1x16xf32>,
      %get3A_385 = vector.shape_cast %get3A_384 : vector<1x1x16xf32> to vector<16xf32>
      %get3A_386 = arith.constant 1 : i32
      %get3A_387 = arith.index_cast %get3A_386 : i32 to index
      %get3A_388 = arith.index_cast %scan3A_254 : i32 to index
      %get3A_389 = arith.constant 84 : index
      %get3A_390 = tpu.vector_load %arg6[%get3A_387, %get3A_388, %get3A_389] {strides = array<i32>} : memref<2x128x100xi32, #tpu.memory_space<vmem>>, vector<1x1x16xi32>,
      %get3A_391 = vector.shape_cast %get3A_390 : vector<1x1x16xi32> to vector<16xi32>
      %gt3A_392 = arith.constant 0.000000e+00 : f32
      %gt3A_393 = vector.broadcast %gt3A_392 : f32 to vector<16xf32>
      %gt3A_394 = arith.cmpf ogt, %get3A_385, %gt3A_393 : vector<16xf32>
      %and3A = arith.andi %gt3A_394, %ge3A_5 : vector<16xi1>
      %add3A_395 = arith.constant 65536 : i32
      %add3A_396 = vector.broadcast %add3A_395 : i32 to vector<16xi32>
      %add3A_397 = arith.addi %get3A_391, %add3A_396 : vector<16xi32>
      %select_n3A_398 = arith.select %and3A, %add3A_397, %broadcast_in_dim3A_3 : vector<16xi1>, vector<16xi32>
      %add3A_399 = arith.addi %add3A_378, %select_n3A_398 : vector<16xi32>
      %select_n3A_400 = arith.select %ge3A_5, %get3A_391, %broadcast_in_dim3A_3 : vector<16xi1>, vector<16xi32>
      %add3A_401 = arith.addi %add3A_379, %select_n3A_400 : vector<16xi32>
      %scan3A_402 = arith.constant 1 : i32
      %scan3A_403 = arith.addi %scan3A_254, %scan3A_402 : i32
      %get3A_404 = arith.constant 1 : i32
      %get3A_405 = arith.index_cast %get3A_404 : i32 to index
      %get3A_406 = arith.index_cast %scan3A_403 : i32 to index
      %get3A_407 = arith.constant 0 : index
      %get3A_408 = tpu.vector_load %arg5[%get3A_405, %get3A_406, %get3A_407] {strides = array<i32>} : memref<2x128x100xf32, #tpu.memory_space<vmem>>, vector<1x1x16xf32>,
      %get3A_409 = vector.shape_cast %get3A_408 : vector<1x1x16xf32> to vector<16xf32>
      %get3A_410 = arith.constant 1 : i32
      %get3A_411 = arith.index_cast %get3A_410 : i32 to index
      %get3A_412 = arith.index_cast %scan3A_403 : i32 to index
      %get3A_413 = arith.constant 0 : index
      %get3A_414 = tpu.vector_load %arg6[%get3A_411, %get3A_412, %get3A_413] {strides = array<i32>} : memref<2x128x100xi32, #tpu.memory_space<vmem>>, vector<1x1x16xi32>,
      %get3A_415 = vector.shape_cast %get3A_414 : vector<1x1x16xi32> to vector<16xi32>
      %gt3A_416 = arith.constant 0.000000e+00 : f32
      %gt3A_417 = vector.broadcast %gt3A_416 : f32 to vector<16xf32>
      %gt3A_418 = arith.cmpf ogt, %get3A_409, %gt3A_417 : vector<16xf32>
      %add3A_419 = arith.constant 65536 : i32
      %add3A_420 = vector.broadcast %add3A_419 : i32 to vector<16xi32>
      %add3A_421 = arith.addi %get3A_415, %add3A_420 : vector<16xi32>
      %select_n3A_422 = arith.select %gt3A_418, %add3A_421, %broadcast_in_dim3A_3 : vector<16xi1>, vector<16xi32>
      %add3A_423 = arith.addi %add3A_399, %select_n3A_422 : vector<16xi32>
      %add3A_424 = arith.addi %add3A_401, %get3A_415 : vector<16xi32>
      %get3A_425 = arith.constant 1 : i32
      %get3A_426 = arith.index_cast %get3A_425 : i32 to index
      %get3A_427 = arith.index_cast %scan3A_403 : i32 to index
      %get3A_428 = arith.constant 16 : index
      %get3A_429 = tpu.vector_load %arg5[%get3A_426, %get3A_427, %get3A_428] {strides = array<i32>} : memref<2x128x100xf32, #tpu.memory_space<vmem>>, vector<1x1x16xf32>,
      %get3A_430 = vector.shape_cast %get3A_429 : vector<1x1x16xf32> to vector<16xf32>
      %get3A_431 = arith.constant 1 : i32
      %get3A_432 = arith.index_cast %get3A_431 : i32 to index
      %get3A_433 = arith.index_cast %scan3A_403 : i32 to index
      %get3A_434 = arith.constant 16 : index
      %get3A_435 = tpu.vector_load %arg6[%get3A_432, %get3A_433, %get3A_434] {strides = array<i32>} : memref<2x128x100xi32, #tpu.memory_space<vmem>>, vector<1x1x16xi32>,
      %get3A_436 = vector.shape_cast %get3A_435 : vector<1x1x16xi32> to vector<16xi32>
      %gt3A_437 = arith.constant 0.000000e+00 : f32
      %gt3A_438 = vector.broadcast %gt3A_437 : f32 to vector<16xf32>
      %gt3A_439 = arith.cmpf ogt, %get3A_430, %gt3A_438 : vector<16xf32>
      %add3A_440 = arith.constant 65536 : i32
      %add3A_441 = vector.broadcast %add3A_440 : i32 to vector<16xi32>
      %add3A_442 = arith.addi %get3A_436, %add3A_441 : vector<16xi32>
      %select_n3A_443 = arith.select %gt3A_439, %add3A_442, %broadcast_in_dim3A_3 : vector<16xi1>, vector<16xi32>
      %add3A_444 = arith.addi %add3A_423, %select_n3A_443 : vector<16xi32>
      %add3A_445 = arith.addi %add3A_424, %get3A_436 : vector<16xi32>
      %get3A_446 = arith.constant 1 : i32
      %get3A_447 = arith.index_cast %get3A_446 : i32 to index
      %get3A_448 = arith.index_cast %scan3A_403 : i32 to index
      %get3A_449 = arith.constant 32 : index
      %get3A_450 = tpu.vector_load %arg5[%get3A_447, %get3A_448, %get3A_449] {strides = array<i32>} : memref<2x128x100xf32, #tpu.memory_space<vmem>>, vector<1x1x16xf32>,
      %get3A_451 = vector.shape_cast %get3A_450 : vector<1x1x16xf32> to vector<16xf32>
      %get3A_452 = arith.constant 1 : i32
      %get3A_453 = arith.index_cast %get3A_452 : i32 to index
      %get3A_454 = arith.index_cast %scan3A_403 : i32 to index
      %get3A_455 = arith.constant 32 : index
      %get3A_456 = tpu.vector_load %arg6[%get3A_453, %get3A_454, %get3A_455] {strides = array<i32>} : memref<2x128x100xi32, #tpu.memory_space<vmem>>, vector<1x1x16xi32>,
      %get3A_457 = vector.shape_cast %get3A_456 : vector<1x1x16xi32> to vector<16xi32>
      %gt3A_458 = arith.constant 0.000000e+00 : f32
      %gt3A_459 = vector.broadcast %gt3A_458 : f32 to vector<16xf32>
      %gt3A_460 = arith.cmpf ogt, %get3A_451, %gt3A_459 : vector<16xf32>
      %add3A_461 = arith.constant 65536 : i32
      %add3A_462 = vector.broadcast %add3A_461 : i32 to vector<16xi32>
      %add3A_463 = arith.addi %get3A_457, %add3A_462 : vector<16xi32>
      %select_n3A_464 = arith.select %gt3A_460, %add3A_463, %broadcast_in_dim3A_3 : vector<16xi1>, vector<16xi32>
      %add3A_465 = arith.addi %add3A_444, %select_n3A_464 : vector<16xi32>
      %add3A_466 = arith.addi %add3A_445, %get3A_457 : vector<16xi32>
      %get3A_467 = arith.constant 1 : i32
      %get3A_468 = arith.index_cast %get3A_467 : i32 to index
      %get3A_469 = arith.index_cast %scan3A_403 : i32 to index
      %get3A_470 = arith.constant 48 : index
      %get3A_471 = tpu.vector_load %arg5[%get3A_468, %get3A_469, %get3A_470] {strides = array<i32>} : memref<2x128x100xf32, #tpu.memory_space<vmem>>, vector<1x1x16xf32>,
      %get3A_472 = vector.shape_cast %get3A_471 : vector<1x1x16xf32> to vector<16xf32>
      %get3A_473 = arith.constant 1 : i32
      %get3A_474 = arith.index_cast %get3A_473 : i32 to index
      %get3A_475 = arith.index_cast %scan3A_403 : i32 to index
      %get3A_476 = arith.constant 48 : index
      %get3A_477 = tpu.vector_load %arg6[%get3A_474, %get3A_475, %get3A_476] {strides = array<i32>} : memref<2x128x100xi32, #tpu.memory_space<vmem>>, vector<1x1x16xi32>,
      %get3A_478 = vector.shape_cast %get3A_477 : vector<1x1x16xi32> to vector<16xi32>
      %gt3A_479 = arith.constant 0.000000e+00 : f32
      %gt3A_480 = vector.broadcast %gt3A_479 : f32 to vector<16xf32>
      %gt3A_481 = arith.cmpf ogt, %get3A_472, %gt3A_480 : vector<16xf32>
      %add3A_482 = arith.constant 65536 : i32
      %add3A_483 = vector.broadcast %add3A_482 : i32 to vector<16xi32>
      %add3A_484 = arith.addi %get3A_478, %add3A_483 : vector<16xi32>
      %select_n3A_485 = arith.select %gt3A_481, %add3A_484, %broadcast_in_dim3A_3 : vector<16xi1>, vector<16xi32>
      %add3A_486 = arith.addi %add3A_465, %select_n3A_485 : vector<16xi32>
      %add3A_487 = arith.addi %add3A_466, %get3A_478 : vector<16xi32>
      %get3A_488 = arith.constant 1 : i32
      %get3A_489 = arith.index_cast %get3A_488 : i32 to index
      %get3A_490 = arith.index_cast %scan3A_403 : i32 to index
      %get3A_491 = arith.constant 64 : index
      %get3A_492 = tpu.vector_load %arg5[%get3A_489, %get3A_490, %get3A_491] {strides = array<i32>} : memref<2x128x100xf32, #tpu.memory_space<vmem>>, vector<1x1x16xf32>,
      %get3A_493 = vector.shape_cast %get3A_492 : vector<1x1x16xf32> to vector<16xf32>
      %get3A_494 = arith.constant 1 : i32
      %get3A_495 = arith.index_cast %get3A_494 : i32 to index
      %get3A_496 = arith.index_cast %scan3A_403 : i32 to index
      %get3A_497 = arith.constant 64 : index
      %get3A_498 = tpu.vector_load %arg6[%get3A_495, %get3A_496, %get3A_497] {strides = array<i32>} : memref<2x128x100xi32, #tpu.memory_space<vmem>>, vector<1x1x16xi32>,
      %get3A_499 = vector.shape_cast %get3A_498 : vector<1x1x16xi32> to vector<16xi32>
      %gt3A_500 = arith.constant 0.000000e+00 : f32
      %gt3A_501 = vector.broadcast %gt3A_500 : f32 to vector<16xf32>
      %gt3A_502 = arith.cmpf ogt, %get3A_493, %gt3A_501 : vector<16xf32>
      %add3A_503 = arith.constant 65536 : i32
      %add3A_504 = vector.broadcast %add3A_503 : i32 to vector<16xi32>
      %add3A_505 = arith.addi %get3A_499, %add3A_504 : vector<16xi32>
      %select_n3A_506 = arith.select %gt3A_502, %add3A_505, %broadcast_in_dim3A_3 : vector<16xi1>, vector<16xi32>
      %add3A_507 = arith.addi %add3A_486, %select_n3A_506 : vector<16xi32>
      %add3A_508 = arith.addi %add3A_487, %get3A_499 : vector<16xi32>
      %get3A_509 = arith.constant 1 : i32
      %get3A_510 = arith.index_cast %get3A_509 : i32 to index
      %get3A_511 = arith.index_cast %scan3A_403 : i32 to index
      %get3A_512 = arith.constant 80 : index
      %get3A_513 = tpu.vector_load %arg5[%get3A_510, %get3A_511, %get3A_512] {strides = array<i32>} : memref<2x128x100xf32, #tpu.memory_space<vmem>>, vector<1x1x16xf32>,
      %get3A_514 = vector.shape_cast %get3A_513 : vector<1x1x16xf32> to vector<16xf32>
      %get3A_515 = arith.constant 1 : i32
      %get3A_516 = arith.index_cast %get3A_515 : i32 to index
      %get3A_517 = arith.index_cast %scan3A_403 : i32 to index
      %get3A_518 = arith.constant 80 : index
      %get3A_519 = tpu.vector_load %arg6[%get3A_516, %get3A_517, %get3A_518] {strides = array<i32>} : memref<2x128x100xi32, #tpu.memory_space<vmem>>, vector<1x1x16xi32>,
      %get3A_520 = vector.shape_cast %get3A_519 : vector<1x1x16xi32> to vector<16xi32>
      %gt3A_521 = arith.constant 0.000000e+00 : f32
      %gt3A_522 = vector.broadcast %gt3A_521 : f32 to vector<16xf32>
      %gt3A_523 = arith.cmpf ogt, %get3A_514, %gt3A_522 : vector<16xf32>
      %add3A_524 = arith.constant 65536 : i32
      %add3A_525 = vector.broadcast %add3A_524 : i32 to vector<16xi32>
      %add3A_526 = arith.addi %get3A_520, %add3A_525 : vector<16xi32>
      %select_n3A_527 = arith.select %gt3A_523, %add3A_526, %broadcast_in_dim3A_3 : vector<16xi1>, vector<16xi32>
      %add3A_528 = arith.addi %add3A_507, %select_n3A_527 : vector<16xi32>
      %add3A_529 = arith.addi %add3A_508, %get3A_520 : vector<16xi32>
      %get3A_530 = arith.constant 1 : i32
      %get3A_531 = arith.index_cast %get3A_530 : i32 to index
      %get3A_532 = arith.index_cast %scan3A_403 : i32 to index
      %get3A_533 = arith.constant 84 : index
      %get3A_534 = tpu.vector_load %arg5[%get3A_531, %get3A_532, %get3A_533] {strides = array<i32>} : memref<2x128x100xf32, #tpu.memory_space<vmem>>, vector<1x1x16xf32>,
      %get3A_535 = vector.shape_cast %get3A_534 : vector<1x1x16xf32> to vector<16xf32>
      %get3A_536 = arith.constant 1 : i32
      %get3A_537 = arith.index_cast %get3A_536 : i32 to index
      %get3A_538 = arith.index_cast %scan3A_403 : i32 to index
      %get3A_539 = arith.constant 84 : index
      %get3A_540 = tpu.vector_load %arg6[%get3A_537, %get3A_538, %get3A_539] {strides = array<i32>} : memref<2x128x100xi32, #tpu.memory_space<vmem>>, vector<1x1x16xi32>,
      %get3A_541 = vector.shape_cast %get3A_540 : vector<1x1x16xi32> to vector<16xi32>
      %gt3A_542 = arith.constant 0.000000e+00 : f32
      %gt3A_543 = vector.broadcast %gt3A_542 : f32 to vector<16xf32>
      %gt3A_544 = arith.cmpf ogt, %get3A_535, %gt3A_543 : vector<16xf32>
      %and3A_545 = arith.andi %gt3A_544, %ge3A_5 : vector<16xi1>
      %add3A_546 = arith.constant 65536 : i32
      %add3A_547 = vector.broadcast %add3A_546 : i32 to vector<16xi32>
      %add3A_548 = arith.addi %get3A_541, %add3A_547 : vector<16xi32>
      %select_n3A_549 = arith.select %and3A_545, %add3A_548, %broadcast_in_dim3A_3 : vector<16xi1>, vector<16xi32>
      %add3A_550 = arith.addi %add3A_528, %select_n3A_549 : vector<16xi32>
      %select_n3A_551 = arith.select %ge3A_5, %get3A_541, %broadcast_in_dim3A_3 : vector<16xi1>, vector<16xi32>
      %add3A_552 = arith.addi %add3A_529, %select_n3A_551 : vector<16xi32>
      scf.yield %add3A_550, %add3A_552 : vector<16xi32>, vector<16xi32>
    }
    %scan3A_150 = arith.constant 128 : i32
    %add3A_151 = arith.constant 384 : i32
    %add3A_152 = arith.addi %mul3A_2, %add3A_151 : i32
    %dma_start3A_153 = arith.constant 1 : i32
    %dma_start3A_154 = arith.constant 0 : i32
    %dma_start3A_155 = arith.constant 0 : i32
    %dma_start3A_156 = tpu.memref_slice %arg5[%dma_start3A_153, %dma_start3A_154, %dma_start3A_155] : memref<2x128x100xf32, #tpu.memory_space<vmem>> -> memref<1x128x100xf32, #tpu.memory_space<vmem>>
    %dma_start3A_157 = tpu.memref_squeeze %dma_start3A_156 : memref<1x128x100xf32, #tpu.memory_space<vmem>> -> memref<128x100xf32, #tpu.memory_space<vmem>>
    %dma_start3A_158 = arith.constant 0 : i32
    %dma_start3A_159 = tpu.memref_slice %arg2[%add3A_152, %dma_start3A_158] : memref<16384x100xf32, #tpu.memory_space<hbm>> -> memref<128x100xf32, #tpu.memory_space<hbm>>
    %dma_start3A_160 = arith.constant 0 : i32
    %dma_start3A_161 = arith.constant 0 : i32
    %dma_start3A_162 = tpu.memref_slice %arg5[%dma_start3A_153, %dma_start3A_160, %dma_start3A_161] : memref<2x128x100xf32, #tpu.memory_space<vmem>> -> memref<1x128x100xf32, #tpu.memory_space<vmem>>
    %dma_start3A_163 = tpu.memref_squeeze %dma_start3A_162 : memref<1x128x100xf32, #tpu.memory_space<vmem>> -> memref<128x100xf32, #tpu.memory_space<vmem>>
    %dma_start3A_164 = arith.constant 0 : i32
    %dma_start3A_165 = tpu.memref_slice %arg2[%add3A_152, %dma_start3A_164] : memref<16384x100xf32, #tpu.memory_space<hbm>> -> memref<128x100xf32, #tpu.memory_space<hbm>>
    tpu.enqueue_dma source(%dma_start3A_165 : memref<128x100xf32, #tpu.memory_space<hbm>>) target(%dma_start3A_163 : memref<128x100xf32, #tpu.memory_space<vmem>>) target_semaphore(%arg9 : memref<!tpu.dma_semaphore, #tpu.memory_space<semaphore_mem>>)
    %dma_start3A_166 = arith.constant 1 : i32
    %dma_start3A_167 = arith.constant 0 : i32
    %dma_start3A_168 = arith.constant 0 : i32
    %dma_start3A_169 = tpu.memref_slice %arg6[%dma_start3A_166, %dma_start3A_167, %dma_start3A_168] : memref<2x128x100xi32, #tpu.memory_space<vmem>> -> memref<1x128x100xi32, #tpu.memory_space<vmem>>
    %dma_start3A_170 = tpu.memref_squeeze %dma_start3A_169 : memref<1x128x100xi32, #tpu.memory_space<vmem>> -> memref<128x100xi32, #tpu.memory_space<vmem>>
    %dma_start3A_171 = arith.constant 0 : i32
    %dma_start3A_172 = tpu.memref_slice %arg3[%add3A_152, %dma_start3A_171] : memref<16384x100xi32, #tpu.memory_space<hbm>> -> memref<128x100xi32, #tpu.memory_space<hbm>>
    %dma_start3A_173 = arith.constant 0 : i32
    %dma_start3A_174 = arith.constant 0 : i32
    %dma_start3A_175 = tpu.memref_slice %arg6[%dma_start3A_166, %dma_start3A_173, %dma_start3A_174] : memref<2x128x100xi32, #tpu.memory_space<vmem>> -> memref<1x128x100xi32, #tpu.memory_space<vmem>>
    %dma_start3A_176 = tpu.memref_squeeze %dma_start3A_175 : memref<1x128x100xi32, #tpu.memory_space<vmem>> -> memref<128x100xi32, #tpu.memory_space<vmem>>
    %dma_start3A_177 = arith.constant 0 : i32
    %dma_start3A_178 = tpu.memref_slice %arg3[%add3A_152, %dma_start3A_177] : memref<16384x100xi32, #tpu.memory_space<hbm>> -> memref<128x100xi32, #tpu.memory_space<hbm>>
    tpu.enqueue_dma source(%dma_start3A_178 : memref<128x100xi32, #tpu.memory_space<hbm>>) target(%dma_start3A_176 : memref<128x100xi32, #tpu.memory_space<vmem>>) target_semaphore(%arg9 : memref<!tpu.dma_semaphore, #tpu.memory_space<semaphore_mem>>)
    %dma_wait3A_179 = arith.constant 0 : i32
    %dma_wait3A_180 = arith.constant 0 : i32
    %dma_wait3A_181 = arith.constant 0 : i32
    %dma_wait3A_182 = tpu.memref_slice %arg5[%dma_wait3A_179, %dma_wait3A_180, %dma_wait3A_181] : memref<2x128x100xf32, #tpu.memory_space<vmem>> -> memref<1x128x100xf32, #tpu.memory_space<vmem>>
    %dma_wait3A_183 = tpu.memref_squeeze %dma_wait3A_182 : memref<1x128x100xf32, #tpu.memory_space<vmem>> -> memref<128x100xf32, #tpu.memory_space<vmem>>
    %dma_wait3A_184 = arith.constant 0 : i32
    %dma_wait3A_185 = tpu.memref_slice %arg2[%add3A_92, %dma_wait3A_184] : memref<16384x100xf32, #tpu.memory_space<hbm>> -> memref<128x100xf32, #tpu.memory_space<hbm>>
    %dma_wait3A_186 = arith.constant 0 : i32
    %dma_wait3A_187 = arith.constant 0 : i32
    %dma_wait3A_188 = tpu.memref_slice %arg5[%dma_wait3A_179, %dma_wait3A_186, %dma_wait3A_187] : memref<2x128x100xf32, #tpu.memory_space<vmem>> -> memref<1x128x100xf32, #tpu.memory_space<vmem>>
    %dma_wait3A_189 = tpu.memref_squeeze %dma_wait3A_188 : memref<1x128x100xf32, #tpu.memory_space<vmem>> -> memref<128x100xf32, #tpu.memory_space<vmem>>
    %dma_wait3A_190 = arith.constant 0 : i32
    %dma_wait3A_191 = tpu.memref_slice %arg2[%add3A_92, %dma_wait3A_190] : memref<16384x100xf32, #tpu.memory_space<hbm>> -> memref<128x100xf32, #tpu.memory_space<hbm>>
    tpu.wait_dma2 semaphore(%arg8 : memref<!tpu.dma_semaphore, #tpu.memory_space<semaphore_mem>>) src(%dma_wait3A_191 : memref<128x100xf32, #tpu.memory_space<hbm>>) dst(%dma_wait3A_189 : memref<128x100xf32, #tpu.memory_space<vmem>>)
    %dma_wait3A_192 = arith.constant 0 : i32
    %dma_wait3A_193 = arith.constant 0 : i32
    %dma_wait3A_194 = arith.constant 0 : i32
    %dma_wait3A_195 = tpu.memref_slice %arg6[%dma_wait3A_192, %dma_wait3A_193, %dma_wait3A_194] : memref<2x128x100xi32, #tpu.memory_space<vmem>> -> memref<1x128x100xi32, #tpu.memory_space<vmem>>
    %dma_wait3A_196 = tpu.memref_squeeze %dma_wait3A_195 : memref<1x128x100xi32, #tpu.memory_space<vmem>> -> memref<128x100xi32, #tpu.memory_space<vmem>>
    %dma_wait3A_197 = arith.constant 0 : i32
    %dma_wait3A_198 = tpu.memref_slice %arg3[%add3A_92, %dma_wait3A_197] : memref<16384x100xi32, #tpu.memory_space<hbm>> -> memref<128x100xi32, #tpu.memory_space<hbm>>
    %dma_wait3A_199 = arith.constant 0 : i32
    %dma_wait3A_200 = arith.constant 0 : i32
    %dma_wait3A_201 = tpu.memref_slice %arg6[%dma_wait3A_192, %dma_wait3A_199, %dma_wait3A_200] : memref<2x128x100xi32, #tpu.memory_space<vmem>> -> memref<1x128x100xi32, #tpu.memory_space<vmem>>
    %dma_wait3A_202 = tpu.memref_squeeze %dma_wait3A_201 : memref<1x128x100xi32, #tpu.memory_space<vmem>> -> memref<128x100xi32, #tpu.memory_space<vmem>>
    %dma_wait3A_203 = arith.constant 0 : i32
    %dma_wait3A_204 = tpu.memref_slice %arg3[%add3A_92, %dma_wait3A_203] : memref<16384x100xi32, #tpu.memory_space<hbm>> -> memref<128x100xi32, #tpu.memory_space<hbm>>
    tpu.wait_dma2 semaphore(%arg8 : memref<!tpu.dma_semaphore, #tpu.memory_space<semaphore_mem>>) src(%dma_wait3A_204 : memref<128x100xi32, #tpu.memory_space<hbm>>) dst(%dma_wait3A_202 : memref<128x100xi32, #tpu.memory_space<vmem>>)
    %scan3A_205 = arith.constant 0 : i32
    %scan3A_206 = arith.constant 128 : i32
    %scan3A_207 = arith.addi %scan3A_205, %scan3A_206 : i32
    %scan3A_208 = arith.constant 2 : i32
    %scan3A_209:2 = scf.for %scan3A_254 = %scan3A_205 to %scan3A_207 step %scan3A_208 iter_args(%scan3A_255 = %scan3A_149#0, %scan3A_256 = %scan3A_149#1) -> (vector<16xi32>, vector<16xi32>)  : i32 {
      %get3A = arith.constant 0 : i32
      %get3A_257 = arith.index_cast %get3A : i32 to index
      %get3A_258 = arith.index_cast %scan3A_254 : i32 to index
      %get3A_259 = arith.constant 0 : index
      %get3A_260 = tpu.vector_load %arg5[%get3A_257, %get3A_258, %get3A_259] {strides = array<i32>} : memref<2x128x100xf32, #tpu.memory_space<vmem>>, vector<1x1x16xf32>,
      %get3A_261 = vector.shape_cast %get3A_260 : vector<1x1x16xf32> to vector<16xf32>
      %get3A_262 = arith.constant 0 : i32
      %get3A_263 = arith.index_cast %get3A_262 : i32 to index
      %get3A_264 = arith.index_cast %scan3A_254 : i32 to index
      %get3A_265 = arith.constant 0 : index
      %get3A_266 = tpu.vector_load %arg6[%get3A_263, %get3A_264, %get3A_265] {strides = array<i32>} : memref<2x128x100xi32, #tpu.memory_space<vmem>>, vector<1x1x16xi32>,
      %get3A_267 = vector.shape_cast %get3A_266 : vector<1x1x16xi32> to vector<16xi32>
      %gt3A = arith.constant 0.000000e+00 : f32
      %gt3A_268 = vector.broadcast %gt3A : f32 to vector<16xf32>
      %gt3A_269 = arith.cmpf ogt, %get3A_261, %gt3A_268 : vector<16xf32>
      %add3A_270 = arith.constant 65536 : i32
      %add3A_271 = vector.broadcast %add3A_270 : i32 to vector<16xi32>
      %add3A_272 = arith.addi %get3A_267, %add3A_271 : vector<16xi32>
      %select_n3A = arith.select %gt3A_269, %add3A_272, %broadcast_in_dim3A_3 : vector<16xi1>, vector<16xi32>
      %add3A_273 = arith.addi %scan3A_255, %select_n3A : vector<16xi32>
      %add3A_274 = arith.addi %scan3A_256, %get3A_267 : vector<16xi32>
      %get3A_275 = arith.constant 0 : i32
      %get3A_276 = arith.index_cast %get3A_275 : i32 to index
      %get3A_277 = arith.index_cast %scan3A_254 : i32 to index
      %get3A_278 = arith.constant 16 : index
      %get3A_279 = tpu.vector_load %arg5[%get3A_276, %get3A_277, %get3A_278] {strides = array<i32>} : memref<2x128x100xf32, #tpu.memory_space<vmem>>, vector<1x1x16xf32>,
      %get3A_280 = vector.shape_cast %get3A_279 : vector<1x1x16xf32> to vector<16xf32>
      %get3A_281 = arith.constant 0 : i32
      %get3A_282 = arith.index_cast %get3A_281 : i32 to index
      %get3A_283 = arith.index_cast %scan3A_254 : i32 to index
      %get3A_284 = arith.constant 16 : index
      %get3A_285 = tpu.vector_load %arg6[%get3A_282, %get3A_283, %get3A_284] {strides = array<i32>} : memref<2x128x100xi32, #tpu.memory_space<vmem>>, vector<1x1x16xi32>,
      %get3A_286 = vector.shape_cast %get3A_285 : vector<1x1x16xi32> to vector<16xi32>
      %gt3A_287 = arith.constant 0.000000e+00 : f32
      %gt3A_288 = vector.broadcast %gt3A_287 : f32 to vector<16xf32>
      %gt3A_289 = arith.cmpf ogt, %get3A_280, %gt3A_288 : vector<16xf32>
      %add3A_290 = arith.constant 65536 : i32
      %add3A_291 = vector.broadcast %add3A_290 : i32 to vector<16xi32>
      %add3A_292 = arith.addi %get3A_286, %add3A_291 : vector<16xi32>
      %select_n3A_293 = arith.select %gt3A_289, %add3A_292, %broadcast_in_dim3A_3 : vector<16xi1>, vector<16xi32>
      %add3A_294 = arith.addi %add3A_273, %select_n3A_293 : vector<16xi32>
      %add3A_295 = arith.addi %add3A_274, %get3A_286 : vector<16xi32>
      %get3A_296 = arith.constant 0 : i32
      %get3A_297 = arith.index_cast %get3A_296 : i32 to index
      %get3A_298 = arith.index_cast %scan3A_254 : i32 to index
      %get3A_299 = arith.constant 32 : index
      %get3A_300 = tpu.vector_load %arg5[%get3A_297, %get3A_298, %get3A_299] {strides = array<i32>} : memref<2x128x100xf32, #tpu.memory_space<vmem>>, vector<1x1x16xf32>,
      %get3A_301 = vector.shape_cast %get3A_300 : vector<1x1x16xf32> to vector<16xf32>
      %get3A_302 = arith.constant 0 : i32
      %get3A_303 = arith.index_cast %get3A_302 : i32 to index
      %get3A_304 = arith.index_cast %scan3A_254 : i32 to index
      %get3A_305 = arith.constant 32 : index
      %get3A_306 = tpu.vector_load %arg6[%get3A_303, %get3A_304, %get3A_305] {strides = array<i32>} : memref<2x128x100xi32, #tpu.memory_space<vmem>>, vector<1x1x16xi32>,
      %get3A_307 = vector.shape_cast %get3A_306 : vector<1x1x16xi32> to vector<16xi32>
      %gt3A_308 = arith.constant 0.000000e+00 : f32
      %gt3A_309 = vector.broadcast %gt3A_308 : f32 to vector<16xf32>
      %gt3A_310 = arith.cmpf ogt, %get3A_301, %gt3A_309 : vector<16xf32>
      %add3A_311 = arith.constant 65536 : i32
      %add3A_312 = vector.broadcast %add3A_311 : i32 to vector<16xi32>
      %add3A_313 = arith.addi %get3A_307, %add3A_312 : vector<16xi32>
      %select_n3A_314 = arith.select %gt3A_310, %add3A_313, %broadcast_in_dim3A_3 : vector<16xi1>, vector<16xi32>
      %add3A_315 = arith.addi %add3A_294, %select_n3A_314 : vector<16xi32>
      %add3A_316 = arith.addi %add3A_295, %get3A_307 : vector<16xi32>
      %get3A_317 = arith.constant 0 : i32
      %get3A_318 = arith.index_cast %get3A_317 : i32 to index
      %get3A_319 = arith.index_cast %scan3A_254 : i32 to index
      %get3A_320 = arith.constant 48 : index
      %get3A_321 = tpu.vector_load %arg5[%get3A_318, %get3A_319, %get3A_320] {strides = array<i32>} : memref<2x128x100xf32, #tpu.memory_space<vmem>>, vector<1x1x16xf32>,
      %get3A_322 = vector.shape_cast %get3A_321 : vector<1x1x16xf32> to vector<16xf32>
      %get3A_323 = arith.constant 0 : i32
      %get3A_324 = arith.index_cast %get3A_323 : i32 to index
      %get3A_325 = arith.index_cast %scan3A_254 : i32 to index
      %get3A_326 = arith.constant 48 : index
      %get3A_327 = tpu.vector_load %arg6[%get3A_324, %get3A_325, %get3A_326] {strides = array<i32>} : memref<2x128x100xi32, #tpu.memory_space<vmem>>, vector<1x1x16xi32>,
      %get3A_328 = vector.shape_cast %get3A_327 : vector<1x1x16xi32> to vector<16xi32>
      %gt3A_329 = arith.constant 0.000000e+00 : f32
      %gt3A_330 = vector.broadcast %gt3A_329 : f32 to vector<16xf32>
      %gt3A_331 = arith.cmpf ogt, %get3A_322, %gt3A_330 : vector<16xf32>
      %add3A_332 = arith.constant 65536 : i32
      %add3A_333 = vector.broadcast %add3A_332 : i32 to vector<16xi32>
      %add3A_334 = arith.addi %get3A_328, %add3A_333 : vector<16xi32>
      %select_n3A_335 = arith.select %gt3A_331, %add3A_334, %broadcast_in_dim3A_3 : vector<16xi1>, vector<16xi32>
      %add3A_336 = arith.addi %add3A_315, %select_n3A_335 : vector<16xi32>
      %add3A_337 = arith.addi %add3A_316, %get3A_328 : vector<16xi32>
      %get3A_338 = arith.constant 0 : i32
      %get3A_339 = arith.index_cast %get3A_338 : i32 to index
      %get3A_340 = arith.index_cast %scan3A_254 : i32 to index
      %get3A_341 = arith.constant 64 : index
      %get3A_342 = tpu.vector_load %arg5[%get3A_339, %get3A_340, %get3A_341] {strides = array<i32>} : memref<2x128x100xf32, #tpu.memory_space<vmem>>, vector<1x1x16xf32>,
      %get3A_343 = vector.shape_cast %get3A_342 : vector<1x1x16xf32> to vector<16xf32>
      %get3A_344 = arith.constant 0 : i32
      %get3A_345 = arith.index_cast %get3A_344 : i32 to index
      %get3A_346 = arith.index_cast %scan3A_254 : i32 to index
      %get3A_347 = arith.constant 64 : index
      %get3A_348 = tpu.vector_load %arg6[%get3A_345, %get3A_346, %get3A_347] {strides = array<i32>} : memref<2x128x100xi32, #tpu.memory_space<vmem>>, vector<1x1x16xi32>,
      %get3A_349 = vector.shape_cast %get3A_348 : vector<1x1x16xi32> to vector<16xi32>
      %gt3A_350 = arith.constant 0.000000e+00 : f32
      %gt3A_351 = vector.broadcast %gt3A_350 : f32 to vector<16xf32>
      %gt3A_352 = arith.cmpf ogt, %get3A_343, %gt3A_351 : vector<16xf32>
      %add3A_353 = arith.constant 65536 : i32
      %add3A_354 = vector.broadcast %add3A_353 : i32 to vector<16xi32>
      %add3A_355 = arith.addi %get3A_349, %add3A_354 : vector<16xi32>
      %select_n3A_356 = arith.select %gt3A_352, %add3A_355, %broadcast_in_dim3A_3 : vector<16xi1>, vector<16xi32>
      %add3A_357 = arith.addi %add3A_336, %select_n3A_356 : vector<16xi32>
      %add3A_358 = arith.addi %add3A_337, %get3A_349 : vector<16xi32>
      %get3A_359 = arith.constant 0 : i32
      %get3A_360 = arith.index_cast %get3A_359 : i32 to index
      %get3A_361 = arith.index_cast %scan3A_254 : i32 to index
      %get3A_362 = arith.constant 80 : index
      %get3A_363 = tpu.vector_load %arg5[%get3A_360, %get3A_361, %get3A_362] {strides = array<i32>} : memref<2x128x100xf32, #tpu.memory_space<vmem>>, vector<1x1x16xf32>,
      %get3A_364 = vector.shape_cast %get3A_363 : vector<1x1x16xf32> to vector<16xf32>
      %get3A_365 = arith.constant 0 : i32
      %get3A_366 = arith.index_cast %get3A_365 : i32 to index
      %get3A_367 = arith.index_cast %scan3A_254 : i32 to index
      %get3A_368 = arith.constant 80 : index
      %get3A_369 = tpu.vector_load %arg6[%get3A_366, %get3A_367, %get3A_368] {strides = array<i32>} : memref<2x128x100xi32, #tpu.memory_space<vmem>>, vector<1x1x16xi32>,
      %get3A_370 = vector.shape_cast %get3A_369 : vector<1x1x16xi32> to vector<16xi32>
      %gt3A_371 = arith.constant 0.000000e+00 : f32
      %gt3A_372 = vector.broadcast %gt3A_371 : f32 to vector<16xf32>
      %gt3A_373 = arith.cmpf ogt, %get3A_364, %gt3A_372 : vector<16xf32>
      %add3A_374 = arith.constant 65536 : i32
      %add3A_375 = vector.broadcast %add3A_374 : i32 to vector<16xi32>
      %add3A_376 = arith.addi %get3A_370, %add3A_375 : vector<16xi32>
      %select_n3A_377 = arith.select %gt3A_373, %add3A_376, %broadcast_in_dim3A_3 : vector<16xi1>, vector<16xi32>
      %add3A_378 = arith.addi %add3A_357, %select_n3A_377 : vector<16xi32>
      %add3A_379 = arith.addi %add3A_358, %get3A_370 : vector<16xi32>
      %get3A_380 = arith.constant 0 : i32
      %get3A_381 = arith.index_cast %get3A_380 : i32 to index
      %get3A_382 = arith.index_cast %scan3A_254 : i32 to index
      %get3A_383 = arith.constant 84 : index
      %get3A_384 = tpu.vector_load %arg5[%get3A_381, %get3A_382, %get3A_383] {strides = array<i32>} : memref<2x128x100xf32, #tpu.memory_space<vmem>>, vector<1x1x16xf32>,
      %get3A_385 = vector.shape_cast %get3A_384 : vector<1x1x16xf32> to vector<16xf32>
      %get3A_386 = arith.constant 0 : i32
      %get3A_387 = arith.index_cast %get3A_386 : i32 to index
      %get3A_388 = arith.index_cast %scan3A_254 : i32 to index
      %get3A_389 = arith.constant 84 : index
      %get3A_390 = tpu.vector_load %arg6[%get3A_387, %get3A_388, %get3A_389] {strides = array<i32>} : memref<2x128x100xi32, #tpu.memory_space<vmem>>, vector<1x1x16xi32>,
      %get3A_391 = vector.shape_cast %get3A_390 : vector<1x1x16xi32> to vector<16xi32>
      %gt3A_392 = arith.constant 0.000000e+00 : f32
      %gt3A_393 = vector.broadcast %gt3A_392 : f32 to vector<16xf32>
      %gt3A_394 = arith.cmpf ogt, %get3A_385, %gt3A_393 : vector<16xf32>
      %and3A = arith.andi %gt3A_394, %ge3A_5 : vector<16xi1>
      %add3A_395 = arith.constant 65536 : i32
      %add3A_396 = vector.broadcast %add3A_395 : i32 to vector<16xi32>
      %add3A_397 = arith.addi %get3A_391, %add3A_396 : vector<16xi32>
      %select_n3A_398 = arith.select %and3A, %add3A_397, %broadcast_in_dim3A_3 : vector<16xi1>, vector<16xi32>
      %add3A_399 = arith.addi %add3A_378, %select_n3A_398 : vector<16xi32>
      %select_n3A_400 = arith.select %ge3A_5, %get3A_391, %broadcast_in_dim3A_3 : vector<16xi1>, vector<16xi32>
      %add3A_401 = arith.addi %add3A_379, %select_n3A_400 : vector<16xi32>
      %scan3A_402 = arith.constant 1 : i32
      %scan3A_403 = arith.addi %scan3A_254, %scan3A_402 : i32
      %get3A_404 = arith.constant 0 : i32
      %get3A_405 = arith.index_cast %get3A_404 : i32 to index
      %get3A_406 = arith.index_cast %scan3A_403 : i32 to index
      %get3A_407 = arith.constant 0 : index
      %get3A_408 = tpu.vector_load %arg5[%get3A_405, %get3A_406, %get3A_407] {strides = array<i32>} : memref<2x128x100xf32, #tpu.memory_space<vmem>>, vector<1x1x16xf32>,
      %get3A_409 = vector.shape_cast %get3A_408 : vector<1x1x16xf32> to vector<16xf32>
      %get3A_410 = arith.constant 0 : i32
      %get3A_411 = arith.index_cast %get3A_410 : i32 to index
      %get3A_412 = arith.index_cast %scan3A_403 : i32 to index
      %get3A_413 = arith.constant 0 : index
      %get3A_414 = tpu.vector_load %arg6[%get3A_411, %get3A_412, %get3A_413] {strides = array<i32>} : memref<2x128x100xi32, #tpu.memory_space<vmem>>, vector<1x1x16xi32>,
      %get3A_415 = vector.shape_cast %get3A_414 : vector<1x1x16xi32> to vector<16xi32>
      %gt3A_416 = arith.constant 0.000000e+00 : f32
      %gt3A_417 = vector.broadcast %gt3A_416 : f32 to vector<16xf32>
      %gt3A_418 = arith.cmpf ogt, %get3A_409, %gt3A_417 : vector<16xf32>
      %add3A_419 = arith.constant 65536 : i32
      %add3A_420 = vector.broadcast %add3A_419 : i32 to vector<16xi32>
      %add3A_421 = arith.addi %get3A_415, %add3A_420 : vector<16xi32>
      %select_n3A_422 = arith.select %gt3A_418, %add3A_421, %broadcast_in_dim3A_3 : vector<16xi1>, vector<16xi32>
      %add3A_423 = arith.addi %add3A_399, %select_n3A_422 : vector<16xi32>
      %add3A_424 = arith.addi %add3A_401, %get3A_415 : vector<16xi32>
      %get3A_425 = arith.constant 0 : i32
      %get3A_426 = arith.index_cast %get3A_425 : i32 to index
      %get3A_427 = arith.index_cast %scan3A_403 : i32 to index
      %get3A_428 = arith.constant 16 : index
      %get3A_429 = tpu.vector_load %arg5[%get3A_426, %get3A_427, %get3A_428] {strides = array<i32>} : memref<2x128x100xf32, #tpu.memory_space<vmem>>, vector<1x1x16xf32>,
      %get3A_430 = vector.shape_cast %get3A_429 : vector<1x1x16xf32> to vector<16xf32>
      %get3A_431 = arith.constant 0 : i32
      %get3A_432 = arith.index_cast %get3A_431 : i32 to index
      %get3A_433 = arith.index_cast %scan3A_403 : i32 to index
      %get3A_434 = arith.constant 16 : index
      %get3A_435 = tpu.vector_load %arg6[%get3A_432, %get3A_433, %get3A_434] {strides = array<i32>} : memref<2x128x100xi32, #tpu.memory_space<vmem>>, vector<1x1x16xi32>,
      %get3A_436 = vector.shape_cast %get3A_435 : vector<1x1x16xi32> to vector<16xi32>
      %gt3A_437 = arith.constant 0.000000e+00 : f32
      %gt3A_438 = vector.broadcast %gt3A_437 : f32 to vector<16xf32>
      %gt3A_439 = arith.cmpf ogt, %get3A_430, %gt3A_438 : vector<16xf32>
      %add3A_440 = arith.constant 65536 : i32
      %add3A_441 = vector.broadcast %add3A_440 : i32 to vector<16xi32>
      %add3A_442 = arith.addi %get3A_436, %add3A_441 : vector<16xi32>
      %select_n3A_443 = arith.select %gt3A_439, %add3A_442, %broadcast_in_dim3A_3 : vector<16xi1>, vector<16xi32>
      %add3A_444 = arith.addi %add3A_423, %select_n3A_443 : vector<16xi32>
      %add3A_445 = arith.addi %add3A_424, %get3A_436 : vector<16xi32>
      %get3A_446 = arith.constant 0 : i32
      %get3A_447 = arith.index_cast %get3A_446 : i32 to index
      %get3A_448 = arith.index_cast %scan3A_403 : i32 to index
      %get3A_449 = arith.constant 32 : index
      %get3A_450 = tpu.vector_load %arg5[%get3A_447, %get3A_448, %get3A_449] {strides = array<i32>} : memref<2x128x100xf32, #tpu.memory_space<vmem>>, vector<1x1x16xf32>,
      %get3A_451 = vector.shape_cast %get3A_450 : vector<1x1x16xf32> to vector<16xf32>
      %get3A_452 = arith.constant 0 : i32
      %get3A_453 = arith.index_cast %get3A_452 : i32 to index
      %get3A_454 = arith.index_cast %scan3A_403 : i32 to index
      %get3A_455 = arith.constant 32 : index
      %get3A_456 = tpu.vector_load %arg6[%get3A_453, %get3A_454, %get3A_455] {strides = array<i32>} : memref<2x128x100xi32, #tpu.memory_space<vmem>>, vector<1x1x16xi32>,
      %get3A_457 = vector.shape_cast %get3A_456 : vector<1x1x16xi32> to vector<16xi32>
      %gt3A_458 = arith.constant 0.000000e+00 : f32
      %gt3A_459 = vector.broadcast %gt3A_458 : f32 to vector<16xf32>
      %gt3A_460 = arith.cmpf ogt, %get3A_451, %gt3A_459 : vector<16xf32>
      %add3A_461 = arith.constant 65536 : i32
      %add3A_462 = vector.broadcast %add3A_461 : i32 to vector<16xi32>
      %add3A_463 = arith.addi %get3A_457, %add3A_462 : vector<16xi32>
      %select_n3A_464 = arith.select %gt3A_460, %add3A_463, %broadcast_in_dim3A_3 : vector<16xi1>, vector<16xi32>
      %add3A_465 = arith.addi %add3A_444, %select_n3A_464 : vector<16xi32>
      %add3A_466 = arith.addi %add3A_445, %get3A_457 : vector<16xi32>
      %get3A_467 = arith.constant 0 : i32
      %get3A_468 = arith.index_cast %get3A_467 : i32 to index
      %get3A_469 = arith.index_cast %scan3A_403 : i32 to index
      %get3A_470 = arith.constant 48 : index
      %get3A_471 = tpu.vector_load %arg5[%get3A_468, %get3A_469, %get3A_470] {strides = array<i32>} : memref<2x128x100xf32, #tpu.memory_space<vmem>>, vector<1x1x16xf32>,
      %get3A_472 = vector.shape_cast %get3A_471 : vector<1x1x16xf32> to vector<16xf32>
      %get3A_473 = arith.constant 0 : i32
      %get3A_474 = arith.index_cast %get3A_473 : i32 to index
      %get3A_475 = arith.index_cast %scan3A_403 : i32 to index
      %get3A_476 = arith.constant 48 : index
      %get3A_477 = tpu.vector_load %arg6[%get3A_474, %get3A_475, %get3A_476] {strides = array<i32>} : memref<2x128x100xi32, #tpu.memory_space<vmem>>, vector<1x1x16xi32>,
      %get3A_478 = vector.shape_cast %get3A_477 : vector<1x1x16xi32> to vector<16xi32>
      %gt3A_479 = arith.constant 0.000000e+00 : f32
      %gt3A_480 = vector.broadcast %gt3A_479 : f32 to vector<16xf32>
      %gt3A_481 = arith.cmpf ogt, %get3A_472, %gt3A_480 : vector<16xf32>
      %add3A_482 = arith.constant 65536 : i32
      %add3A_483 = vector.broadcast %add3A_482 : i32 to vector<16xi32>
      %add3A_484 = arith.addi %get3A_478, %add3A_483 : vector<16xi32>
      %select_n3A_485 = arith.select %gt3A_481, %add3A_484, %broadcast_in_dim3A_3 : vector<16xi1>, vector<16xi32>
      %add3A_486 = arith.addi %add3A_465, %select_n3A_485 : vector<16xi32>
      %add3A_487 = arith.addi %add3A_466, %get3A_478 : vector<16xi32>
      %get3A_488 = arith.constant 0 : i32
      %get3A_489 = arith.index_cast %get3A_488 : i32 to index
      %get3A_490 = arith.index_cast %scan3A_403 : i32 to index
      %get3A_491 = arith.constant 64 : index
      %get3A_492 = tpu.vector_load %arg5[%get3A_489, %get3A_490, %get3A_491] {strides = array<i32>} : memref<2x128x100xf32, #tpu.memory_space<vmem>>, vector<1x1x16xf32>,
      %get3A_493 = vector.shape_cast %get3A_492 : vector<1x1x16xf32> to vector<16xf32>
      %get3A_494 = arith.constant 0 : i32
      %get3A_495 = arith.index_cast %get3A_494 : i32 to index
      %get3A_496 = arith.index_cast %scan3A_403 : i32 to index
      %get3A_497 = arith.constant 64 : index
      %get3A_498 = tpu.vector_load %arg6[%get3A_495, %get3A_496, %get3A_497] {strides = array<i32>} : memref<2x128x100xi32, #tpu.memory_space<vmem>>, vector<1x1x16xi32>,
      %get3A_499 = vector.shape_cast %get3A_498 : vector<1x1x16xi32> to vector<16xi32>
      %gt3A_500 = arith.constant 0.000000e+00 : f32
      %gt3A_501 = vector.broadcast %gt3A_500 : f32 to vector<16xf32>
      %gt3A_502 = arith.cmpf ogt, %get3A_493, %gt3A_501 : vector<16xf32>
      %add3A_503 = arith.constant 65536 : i32
      %add3A_504 = vector.broadcast %add3A_503 : i32 to vector<16xi32>
      %add3A_505 = arith.addi %get3A_499, %add3A_504 : vector<16xi32>
      %select_n3A_506 = arith.select %gt3A_502, %add3A_505, %broadcast_in_dim3A_3 : vector<16xi1>, vector<16xi32>
      %add3A_507 = arith.addi %add3A_486, %select_n3A_506 : vector<16xi32>
      %add3A_508 = arith.addi %add3A_487, %get3A_499 : vector<16xi32>
      %get3A_509 = arith.constant 0 : i32
      %get3A_510 = arith.index_cast %get3A_509 : i32 to index
      %get3A_511 = arith.index_cast %scan3A_403 : i32 to index
      %get3A_512 = arith.constant 80 : index
      %get3A_513 = tpu.vector_load %arg5[%get3A_510, %get3A_511, %get3A_512] {strides = array<i32>} : memref<2x128x100xf32, #tpu.memory_space<vmem>>, vector<1x1x16xf32>,
      %get3A_514 = vector.shape_cast %get3A_513 : vector<1x1x16xf32> to vector<16xf32>
      %get3A_515 = arith.constant 0 : i32
      %get3A_516 = arith.index_cast %get3A_515 : i32 to index
      %get3A_517 = arith.index_cast %scan3A_403 : i32 to index
      %get3A_518 = arith.constant 80 : index
      %get3A_519 = tpu.vector_load %arg6[%get3A_516, %get3A_517, %get3A_518] {strides = array<i32>} : memref<2x128x100xi32, #tpu.memory_space<vmem>>, vector<1x1x16xi32>,
      %get3A_520 = vector.shape_cast %get3A_519 : vector<1x1x16xi32> to vector<16xi32>
      %gt3A_521 = arith.constant 0.000000e+00 : f32
      %gt3A_522 = vector.broadcast %gt3A_521 : f32 to vector<16xf32>
      %gt3A_523 = arith.cmpf ogt, %get3A_514, %gt3A_522 : vector<16xf32>
      %add3A_524 = arith.constant 65536 : i32
      %add3A_525 = vector.broadcast %add3A_524 : i32 to vector<16xi32>
      %add3A_526 = arith.addi %get3A_520, %add3A_525 : vector<16xi32>
      %select_n3A_527 = arith.select %gt3A_523, %add3A_526, %broadcast_in_dim3A_3 : vector<16xi1>, vector<16xi32>
      %add3A_528 = arith.addi %add3A_507, %select_n3A_527 : vector<16xi32>
      %add3A_529 = arith.addi %add3A_508, %get3A_520 : vector<16xi32>
      %get3A_530 = arith.constant 0 : i32
      %get3A_531 = arith.index_cast %get3A_530 : i32 to index
      %get3A_532 = arith.index_cast %scan3A_403 : i32 to index
      %get3A_533 = arith.constant 84 : index
      %get3A_534 = tpu.vector_load %arg5[%get3A_531, %get3A_532, %get3A_533] {strides = array<i32>} : memref<2x128x100xf32, #tpu.memory_space<vmem>>, vector<1x1x16xf32>,
      %get3A_535 = vector.shape_cast %get3A_534 : vector<1x1x16xf32> to vector<16xf32>
      %get3A_536 = arith.constant 0 : i32
      %get3A_537 = arith.index_cast %get3A_536 : i32 to index
      %get3A_538 = arith.index_cast %scan3A_403 : i32 to index
      %get3A_539 = arith.constant 84 : index
      %get3A_540 = tpu.vector_load %arg6[%get3A_537, %get3A_538, %get3A_539] {strides = array<i32>} : memref<2x128x100xi32, #tpu.memory_space<vmem>>, vector<1x1x16xi32>,
      %get3A_541 = vector.shape_cast %get3A_540 : vector<1x1x16xi32> to vector<16xi32>
      %gt3A_542 = arith.constant 0.000000e+00 : f32
      %gt3A_543 = vector.broadcast %gt3A_542 : f32 to vector<16xf32>
      %gt3A_544 = arith.cmpf ogt, %get3A_535, %gt3A_543 : vector<16xf32>
      %and3A_545 = arith.andi %gt3A_544, %ge3A_5 : vector<16xi1>
      %add3A_546 = arith.constant 65536 : i32
      %add3A_547 = vector.broadcast %add3A_546 : i32 to vector<16xi32>
      %add3A_548 = arith.addi %get3A_541, %add3A_547 : vector<16xi32>
      %select_n3A_549 = arith.select %and3A_545, %add3A_548, %broadcast_in_dim3A_3 : vector<16xi1>, vector<16xi32>
      %add3A_550 = arith.addi %add3A_528, %select_n3A_549 : vector<16xi32>
      %select_n3A_551 = arith.select %ge3A_5, %get3A_541, %broadcast_in_dim3A_3 : vector<16xi1>, vector<16xi32>
      %add3A_552 = arith.addi %add3A_529, %select_n3A_551 : vector<16xi32>
      scf.yield %add3A_550, %add3A_552 : vector<16xi32>, vector<16xi32>
    }
    %scan3A_210 = arith.constant 128 : i32
    %dma_wait3A_211 = arith.constant 1 : i32
    %dma_wait3A_212 = arith.constant 0 : i32
    %dma_wait3A_213 = arith.constant 0 : i32
    %dma_wait3A_214 = tpu.memref_slice %arg5[%dma_wait3A_211, %dma_wait3A_212, %dma_wait3A_213] : memref<2x128x100xf32, #tpu.memory_space<vmem>> -> memref<1x128x100xf32, #tpu.memory_space<vmem>>
    %dma_wait3A_215 = tpu.memref_squeeze %dma_wait3A_214 : memref<1x128x100xf32, #tpu.memory_space<vmem>> -> memref<128x100xf32, #tpu.memory_space<vmem>>
    %dma_wait3A_216 = arith.constant 0 : i32
    %dma_wait3A_217 = tpu.memref_slice %arg2[%add3A_152, %dma_wait3A_216] : memref<16384x100xf32, #tpu.memory_space<hbm>> -> memref<128x100xf32, #tpu.memory_space<hbm>>
    %dma_wait3A_218 = arith.constant 0 : i32
    %dma_wait3A_219 = arith.constant 0 : i32
    %dma_wait3A_220 = tpu.memref_slice %arg5[%dma_wait3A_211, %dma_wait3A_218, %dma_wait3A_219] : memref<2x128x100xf32, #tpu.memory_space<vmem>> -> memref<1x128x100xf32, #tpu.memory_space<vmem>>
    %dma_wait3A_221 = tpu.memref_squeeze %dma_wait3A_220 : memref<1x128x100xf32, #tpu.memory_space<vmem>> -> memref<128x100xf32, #tpu.memory_space<vmem>>
    %dma_wait3A_222 = arith.constant 0 : i32
    %dma_wait3A_223 = tpu.memref_slice %arg2[%add3A_152, %dma_wait3A_222] : memref<16384x100xf32, #tpu.memory_space<hbm>> -> memref<128x100xf32, #tpu.memory_space<hbm>>
    tpu.wait_dma2 semaphore(%arg9 : memref<!tpu.dma_semaphore, #tpu.memory_space<semaphore_mem>>) src(%dma_wait3A_223 : memref<128x100xf32, #tpu.memory_space<hbm>>) dst(%dma_wait3A_221 : memref<128x100xf32, #tpu.memory_space<vmem>>)
    %dma_wait3A_224 = arith.constant 1 : i32
    %dma_wait3A_225 = arith.constant 0 : i32
    %dma_wait3A_226 = arith.constant 0 : i32
    %dma_wait3A_227 = tpu.memref_slice %arg6[%dma_wait3A_224, %dma_wait3A_225, %dma_wait3A_226] : memref<2x128x100xi32, #tpu.memory_space<vmem>> -> memref<1x128x100xi32, #tpu.memory_space<vmem>>
    %dma_wait3A_228 = tpu.memref_squeeze %dma_wait3A_227 : memref<1x128x100xi32, #tpu.memory_space<vmem>> -> memref<128x100xi32, #tpu.memory_space<vmem>>
    %dma_wait3A_229 = arith.constant 0 : i32
    %dma_wait3A_230 = tpu.memref_slice %arg3[%add3A_152, %dma_wait3A_229] : memref<16384x100xi32, #tpu.memory_space<hbm>> -> memref<128x100xi32, #tpu.memory_space<hbm>>
    %dma_wait3A_231 = arith.constant 0 : i32
    %dma_wait3A_232 = arith.constant 0 : i32
    %dma_wait3A_233 = tpu.memref_slice %arg6[%dma_wait3A_224, %dma_wait3A_231, %dma_wait3A_232] : memref<2x128x100xi32, #tpu.memory_space<vmem>> -> memref<1x128x100xi32, #tpu.memory_space<vmem>>
    %dma_wait3A_234 = tpu.memref_squeeze %dma_wait3A_233 : memref<1x128x100xi32, #tpu.memory_space<vmem>> -> memref<128x100xi32, #tpu.memory_space<vmem>>
    %dma_wait3A_235 = arith.constant 0 : i32
    %dma_wait3A_236 = tpu.memref_slice %arg3[%add3A_152, %dma_wait3A_235] : memref<16384x100xi32, #tpu.memory_space<hbm>> -> memref<128x100xi32, #tpu.memory_space<hbm>>
    tpu.wait_dma2 semaphore(%arg9 : memref<!tpu.dma_semaphore, #tpu.memory_space<semaphore_mem>>) src(%dma_wait3A_236 : memref<128x100xi32, #tpu.memory_space<hbm>>) dst(%dma_wait3A_234 : memref<128x100xi32, #tpu.memory_space<vmem>>)
    %scan3A_237 = arith.constant 0 : i32
    %scan3A_238 = arith.constant 128 : i32
    %scan3A_239 = arith.addi %scan3A_237, %scan3A_238 : i32
    %scan3A_240 = arith.constant 2 : i32
    %scan3A_241:2 = scf.for %scan3A_254 = %scan3A_237 to %scan3A_239 step %scan3A_240 iter_args(%scan3A_255 = %scan3A_209#0, %scan3A_256 = %scan3A_209#1) -> (vector<16xi32>, vector<16xi32>)  : i32 {
      %get3A = arith.constant 1 : i32
      %get3A_257 = arith.index_cast %get3A : i32 to index
      %get3A_258 = arith.index_cast %scan3A_254 : i32 to index
      %get3A_259 = arith.constant 0 : index
      %get3A_260 = tpu.vector_load %arg5[%get3A_257, %get3A_258, %get3A_259] {strides = array<i32>} : memref<2x128x100xf32, #tpu.memory_space<vmem>>, vector<1x1x16xf32>,
      %get3A_261 = vector.shape_cast %get3A_260 : vector<1x1x16xf32> to vector<16xf32>
      %get3A_262 = arith.constant 1 : i32
      %get3A_263 = arith.index_cast %get3A_262 : i32 to index
      %get3A_264 = arith.index_cast %scan3A_254 : i32 to index
      %get3A_265 = arith.constant 0 : index
      %get3A_266 = tpu.vector_load %arg6[%get3A_263, %get3A_264, %get3A_265] {strides = array<i32>} : memref<2x128x100xi32, #tpu.memory_space<vmem>>, vector<1x1x16xi32>,
      %get3A_267 = vector.shape_cast %get3A_266 : vector<1x1x16xi32> to vector<16xi32>
      %gt3A = arith.constant 0.000000e+00 : f32
      %gt3A_268 = vector.broadcast %gt3A : f32 to vector<16xf32>
      %gt3A_269 = arith.cmpf ogt, %get3A_261, %gt3A_268 : vector<16xf32>
      %add3A_270 = arith.constant 65536 : i32
      %add3A_271 = vector.broadcast %add3A_270 : i32 to vector<16xi32>
      %add3A_272 = arith.addi %get3A_267, %add3A_271 : vector<16xi32>
      %select_n3A = arith.select %gt3A_269, %add3A_272, %broadcast_in_dim3A_3 : vector<16xi1>, vector<16xi32>
      %add3A_273 = arith.addi %scan3A_255, %select_n3A : vector<16xi32>
      %add3A_274 = arith.addi %scan3A_256, %get3A_267 : vector<16xi32>
      %get3A_275 = arith.constant 1 : i32
      %get3A_276 = arith.index_cast %get3A_275 : i32 to index
      %get3A_277 = arith.index_cast %scan3A_254 : i32 to index
      %get3A_278 = arith.constant 16 : index
      %get3A_279 = tpu.vector_load %arg5[%get3A_276, %get3A_277, %get3A_278] {strides = array<i32>} : memref<2x128x100xf32, #tpu.memory_space<vmem>>, vector<1x1x16xf32>,
      %get3A_280 = vector.shape_cast %get3A_279 : vector<1x1x16xf32> to vector<16xf32>
      %get3A_281 = arith.constant 1 : i32
      %get3A_282 = arith.index_cast %get3A_281 : i32 to index
      %get3A_283 = arith.index_cast %scan3A_254 : i32 to index
      %get3A_284 = arith.constant 16 : index
      %get3A_285 = tpu.vector_load %arg6[%get3A_282, %get3A_283, %get3A_284] {strides = array<i32>} : memref<2x128x100xi32, #tpu.memory_space<vmem>>, vector<1x1x16xi32>,
      %get3A_286 = vector.shape_cast %get3A_285 : vector<1x1x16xi32> to vector<16xi32>
      %gt3A_287 = arith.constant 0.000000e+00 : f32
      %gt3A_288 = vector.broadcast %gt3A_287 : f32 to vector<16xf32>
      %gt3A_289 = arith.cmpf ogt, %get3A_280, %gt3A_288 : vector<16xf32>
      %add3A_290 = arith.constant 65536 : i32
      %add3A_291 = vector.broadcast %add3A_290 : i32 to vector<16xi32>
      %add3A_292 = arith.addi %get3A_286, %add3A_291 : vector<16xi32>
      %select_n3A_293 = arith.select %gt3A_289, %add3A_292, %broadcast_in_dim3A_3 : vector<16xi1>, vector<16xi32>
      %add3A_294 = arith.addi %add3A_273, %select_n3A_293 : vector<16xi32>
      %add3A_295 = arith.addi %add3A_274, %get3A_286 : vector<16xi32>
      %get3A_296 = arith.constant 1 : i32
      %get3A_297 = arith.index_cast %get3A_296 : i32 to index
      %get3A_298 = arith.index_cast %scan3A_254 : i32 to index
      %get3A_299 = arith.constant 32 : index
      %get3A_300 = tpu.vector_load %arg5[%get3A_297, %get3A_298, %get3A_299] {strides = array<i32>} : memref<2x128x100xf32, #tpu.memory_space<vmem>>, vector<1x1x16xf32>,
      %get3A_301 = vector.shape_cast %get3A_300 : vector<1x1x16xf32> to vector<16xf32>
      %get3A_302 = arith.constant 1 : i32
      %get3A_303 = arith.index_cast %get3A_302 : i32 to index
      %get3A_304 = arith.index_cast %scan3A_254 : i32 to index
      %get3A_305 = arith.constant 32 : index
      %get3A_306 = tpu.vector_load %arg6[%get3A_303, %get3A_304, %get3A_305] {strides = array<i32>} : memref<2x128x100xi32, #tpu.memory_space<vmem>>, vector<1x1x16xi32>,
      %get3A_307 = vector.shape_cast %get3A_306 : vector<1x1x16xi32> to vector<16xi32>
      %gt3A_308 = arith.constant 0.000000e+00 : f32
      %gt3A_309 = vector.broadcast %gt3A_308 : f32 to vector<16xf32>
      %gt3A_310 = arith.cmpf ogt, %get3A_301, %gt3A_309 : vector<16xf32>
      %add3A_311 = arith.constant 65536 : i32
      %add3A_312 = vector.broadcast %add3A_311 : i32 to vector<16xi32>
      %add3A_313 = arith.addi %get3A_307, %add3A_312 : vector<16xi32>
      %select_n3A_314 = arith.select %gt3A_310, %add3A_313, %broadcast_in_dim3A_3 : vector<16xi1>, vector<16xi32>
      %add3A_315 = arith.addi %add3A_294, %select_n3A_314 : vector<16xi32>
      %add3A_316 = arith.addi %add3A_295, %get3A_307 : vector<16xi32>
      %get3A_317 = arith.constant 1 : i32
      %get3A_318 = arith.index_cast %get3A_317 : i32 to index
      %get3A_319 = arith.index_cast %scan3A_254 : i32 to index
      %get3A_320 = arith.constant 48 : index
      %get3A_321 = tpu.vector_load %arg5[%get3A_318, %get3A_319, %get3A_320] {strides = array<i32>} : memref<2x128x100xf32, #tpu.memory_space<vmem>>, vector<1x1x16xf32>,
      %get3A_322 = vector.shape_cast %get3A_321 : vector<1x1x16xf32> to vector<16xf32>
      %get3A_323 = arith.constant 1 : i32
      %get3A_324 = arith.index_cast %get3A_323 : i32 to index
      %get3A_325 = arith.index_cast %scan3A_254 : i32 to index
      %get3A_326 = arith.constant 48 : index
      %get3A_327 = tpu.vector_load %arg6[%get3A_324, %get3A_325, %get3A_326] {strides = array<i32>} : memref<2x128x100xi32, #tpu.memory_space<vmem>>, vector<1x1x16xi32>,
      %get3A_328 = vector.shape_cast %get3A_327 : vector<1x1x16xi32> to vector<16xi32>
      %gt3A_329 = arith.constant 0.000000e+00 : f32
      %gt3A_330 = vector.broadcast %gt3A_329 : f32 to vector<16xf32>
      %gt3A_331 = arith.cmpf ogt, %get3A_322, %gt3A_330 : vector<16xf32>
      %add3A_332 = arith.constant 65536 : i32
      %add3A_333 = vector.broadcast %add3A_332 : i32 to vector<16xi32>
      %add3A_334 = arith.addi %get3A_328, %add3A_333 : vector<16xi32>
      %select_n3A_335 = arith.select %gt3A_331, %add3A_334, %broadcast_in_dim3A_3 : vector<16xi1>, vector<16xi32>
      %add3A_336 = arith.addi %add3A_315, %select_n3A_335 : vector<16xi32>
      %add3A_337 = arith.addi %add3A_316, %get3A_328 : vector<16xi32>
      %get3A_338 = arith.constant 1 : i32
      %get3A_339 = arith.index_cast %get3A_338 : i32 to index
      %get3A_340 = arith.index_cast %scan3A_254 : i32 to index
      %get3A_341 = arith.constant 64 : index
      %get3A_342 = tpu.vector_load %arg5[%get3A_339, %get3A_340, %get3A_341] {strides = array<i32>} : memref<2x128x100xf32, #tpu.memory_space<vmem>>, vector<1x1x16xf32>,
      %get3A_343 = vector.shape_cast %get3A_342 : vector<1x1x16xf32> to vector<16xf32>
      %get3A_344 = arith.constant 1 : i32
      %get3A_345 = arith.index_cast %get3A_344 : i32 to index
      %get3A_346 = arith.index_cast %scan3A_254 : i32 to index
      %get3A_347 = arith.constant 64 : index
      %get3A_348 = tpu.vector_load %arg6[%get3A_345, %get3A_346, %get3A_347] {strides = array<i32>} : memref<2x128x100xi32, #tpu.memory_space<vmem>>, vector<1x1x16xi32>,
      %get3A_349 = vector.shape_cast %get3A_348 : vector<1x1x16xi32> to vector<16xi32>
      %gt3A_350 = arith.constant 0.000000e+00 : f32
      %gt3A_351 = vector.broadcast %gt3A_350 : f32 to vector<16xf32>
      %gt3A_352 = arith.cmpf ogt, %get3A_343, %gt3A_351 : vector<16xf32>
      %add3A_353 = arith.constant 65536 : i32
      %add3A_354 = vector.broadcast %add3A_353 : i32 to vector<16xi32>
      %add3A_355 = arith.addi %get3A_349, %add3A_354 : vector<16xi32>
      %select_n3A_356 = arith.select %gt3A_352, %add3A_355, %broadcast_in_dim3A_3 : vector<16xi1>, vector<16xi32>
      %add3A_357 = arith.addi %add3A_336, %select_n3A_356 : vector<16xi32>
      %add3A_358 = arith.addi %add3A_337, %get3A_349 : vector<16xi32>
      %get3A_359 = arith.constant 1 : i32
      %get3A_360 = arith.index_cast %get3A_359 : i32 to index
      %get3A_361 = arith.index_cast %scan3A_254 : i32 to index
      %get3A_362 = arith.constant 80 : index
      %get3A_363 = tpu.vector_load %arg5[%get3A_360, %get3A_361, %get3A_362] {strides = array<i32>} : memref<2x128x100xf32, #tpu.memory_space<vmem>>, vector<1x1x16xf32>,
      %get3A_364 = vector.shape_cast %get3A_363 : vector<1x1x16xf32> to vector<16xf32>
      %get3A_365 = arith.constant 1 : i32
      %get3A_366 = arith.index_cast %get3A_365 : i32 to index
      %get3A_367 = arith.index_cast %scan3A_254 : i32 to index
      %get3A_368 = arith.constant 80 : index
      %get3A_369 = tpu.vector_load %arg6[%get3A_366, %get3A_367, %get3A_368] {strides = array<i32>} : memref<2x128x100xi32, #tpu.memory_space<vmem>>, vector<1x1x16xi32>,
      %get3A_370 = vector.shape_cast %get3A_369 : vector<1x1x16xi32> to vector<16xi32>
      %gt3A_371 = arith.constant 0.000000e+00 : f32
      %gt3A_372 = vector.broadcast %gt3A_371 : f32 to vector<16xf32>
      %gt3A_373 = arith.cmpf ogt, %get3A_364, %gt3A_372 : vector<16xf32>
      %add3A_374 = arith.constant 65536 : i32
      %add3A_375 = vector.broadcast %add3A_374 : i32 to vector<16xi32>
      %add3A_376 = arith.addi %get3A_370, %add3A_375 : vector<16xi32>
      %select_n3A_377 = arith.select %gt3A_373, %add3A_376, %broadcast_in_dim3A_3 : vector<16xi1>, vector<16xi32>
      %add3A_378 = arith.addi %add3A_357, %select_n3A_377 : vector<16xi32>
      %add3A_379 = arith.addi %add3A_358, %get3A_370 : vector<16xi32>
      %get3A_380 = arith.constant 1 : i32
      %get3A_381 = arith.index_cast %get3A_380 : i32 to index
      %get3A_382 = arith.index_cast %scan3A_254 : i32 to index
      %get3A_383 = arith.constant 84 : index
      %get3A_384 = tpu.vector_load %arg5[%get3A_381, %get3A_382, %get3A_383] {strides = array<i32>} : memref<2x128x100xf32, #tpu.memory_space<vmem>>, vector<1x1x16xf32>,
      %get3A_385 = vector.shape_cast %get3A_384 : vector<1x1x16xf32> to vector<16xf32>
      %get3A_386 = arith.constant 1 : i32
      %get3A_387 = arith.index_cast %get3A_386 : i32 to index
      %get3A_388 = arith.index_cast %scan3A_254 : i32 to index
      %get3A_389 = arith.constant 84 : index
      %get3A_390 = tpu.vector_load %arg6[%get3A_387, %get3A_388, %get3A_389] {strides = array<i32>} : memref<2x128x100xi32, #tpu.memory_space<vmem>>, vector<1x1x16xi32>,
      %get3A_391 = vector.shape_cast %get3A_390 : vector<1x1x16xi32> to vector<16xi32>
      %gt3A_392 = arith.constant 0.000000e+00 : f32
      %gt3A_393 = vector.broadcast %gt3A_392 : f32 to vector<16xf32>
      %gt3A_394 = arith.cmpf ogt, %get3A_385, %gt3A_393 : vector<16xf32>
      %and3A = arith.andi %gt3A_394, %ge3A_5 : vector<16xi1>
      %add3A_395 = arith.constant 65536 : i32
      %add3A_396 = vector.broadcast %add3A_395 : i32 to vector<16xi32>
      %add3A_397 = arith.addi %get3A_391, %add3A_396 : vector<16xi32>
      %select_n3A_398 = arith.select %and3A, %add3A_397, %broadcast_in_dim3A_3 : vector<16xi1>, vector<16xi32>
      %add3A_399 = arith.addi %add3A_378, %select_n3A_398 : vector<16xi32>
      %select_n3A_400 = arith.select %ge3A_5, %get3A_391, %broadcast_in_dim3A_3 : vector<16xi1>, vector<16xi32>
      %add3A_401 = arith.addi %add3A_379, %select_n3A_400 : vector<16xi32>
      %scan3A_402 = arith.constant 1 : i32
      %scan3A_403 = arith.addi %scan3A_254, %scan3A_402 : i32
      %get3A_404 = arith.constant 1 : i32
      %get3A_405 = arith.index_cast %get3A_404 : i32 to index
      %get3A_406 = arith.index_cast %scan3A_403 : i32 to index
      %get3A_407 = arith.constant 0 : index
      %get3A_408 = tpu.vector_load %arg5[%get3A_405, %get3A_406, %get3A_407] {strides = array<i32>} : memref<2x128x100xf32, #tpu.memory_space<vmem>>, vector<1x1x16xf32>,
      %get3A_409 = vector.shape_cast %get3A_408 : vector<1x1x16xf32> to vector<16xf32>
      %get3A_410 = arith.constant 1 : i32
      %get3A_411 = arith.index_cast %get3A_410 : i32 to index
      %get3A_412 = arith.index_cast %scan3A_403 : i32 to index
      %get3A_413 = arith.constant 0 : index
      %get3A_414 = tpu.vector_load %arg6[%get3A_411, %get3A_412, %get3A_413] {strides = array<i32>} : memref<2x128x100xi32, #tpu.memory_space<vmem>>, vector<1x1x16xi32>,
      %get3A_415 = vector.shape_cast %get3A_414 : vector<1x1x16xi32> to vector<16xi32>
      %gt3A_416 = arith.constant 0.000000e+00 : f32
      %gt3A_417 = vector.broadcast %gt3A_416 : f32 to vector<16xf32>
      %gt3A_418 = arith.cmpf ogt, %get3A_409, %gt3A_417 : vector<16xf32>
      %add3A_419 = arith.constant 65536 : i32
      %add3A_420 = vector.broadcast %add3A_419 : i32 to vector<16xi32>
      %add3A_421 = arith.addi %get3A_415, %add3A_420 : vector<16xi32>
      %select_n3A_422 = arith.select %gt3A_418, %add3A_421, %broadcast_in_dim3A_3 : vector<16xi1>, vector<16xi32>
      %add3A_423 = arith.addi %add3A_399, %select_n3A_422 : vector<16xi32>
      %add3A_424 = arith.addi %add3A_401, %get3A_415 : vector<16xi32>
      %get3A_425 = arith.constant 1 : i32
      %get3A_426 = arith.index_cast %get3A_425 : i32 to index
      %get3A_427 = arith.index_cast %scan3A_403 : i32 to index
      %get3A_428 = arith.constant 16 : index
      %get3A_429 = tpu.vector_load %arg5[%get3A_426, %get3A_427, %get3A_428] {strides = array<i32>} : memref<2x128x100xf32, #tpu.memory_space<vmem>>, vector<1x1x16xf32>,
      %get3A_430 = vector.shape_cast %get3A_429 : vector<1x1x16xf32> to vector<16xf32>
      %get3A_431 = arith.constant 1 : i32
      %get3A_432 = arith.index_cast %get3A_431 : i32 to index
      %get3A_433 = arith.index_cast %scan3A_403 : i32 to index
      %get3A_434 = arith.constant 16 : index
      %get3A_435 = tpu.vector_load %arg6[%get3A_432, %get3A_433, %get3A_434] {strides = array<i32>} : memref<2x128x100xi32, #tpu.memory_space<vmem>>, vector<1x1x16xi32>,
      %get3A_436 = vector.shape_cast %get3A_435 : vector<1x1x16xi32> to vector<16xi32>
      %gt3A_437 = arith.constant 0.000000e+00 : f32
      %gt3A_438 = vector.broadcast %gt3A_437 : f32 to vector<16xf32>
      %gt3A_439 = arith.cmpf ogt, %get3A_430, %gt3A_438 : vector<16xf32>
      %add3A_440 = arith.constant 65536 : i32
      %add3A_441 = vector.broadcast %add3A_440 : i32 to vector<16xi32>
      %add3A_442 = arith.addi %get3A_436, %add3A_441 : vector<16xi32>
      %select_n3A_443 = arith.select %gt3A_439, %add3A_442, %broadcast_in_dim3A_3 : vector<16xi1>, vector<16xi32>
      %add3A_444 = arith.addi %add3A_423, %select_n3A_443 : vector<16xi32>
      %add3A_445 = arith.addi %add3A_424, %get3A_436 : vector<16xi32>
      %get3A_446 = arith.constant 1 : i32
      %get3A_447 = arith.index_cast %get3A_446 : i32 to index
      %get3A_448 = arith.index_cast %scan3A_403 : i32 to index
      %get3A_449 = arith.constant 32 : index
      %get3A_450 = tpu.vector_load %arg5[%get3A_447, %get3A_448, %get3A_449] {strides = array<i32>} : memref<2x128x100xf32, #tpu.memory_space<vmem>>, vector<1x1x16xf32>,
      %get3A_451 = vector.shape_cast %get3A_450 : vector<1x1x16xf32> to vector<16xf32>
      %get3A_452 = arith.constant 1 : i32
      %get3A_453 = arith.index_cast %get3A_452 : i32 to index
      %get3A_454 = arith.index_cast %scan3A_403 : i32 to index
      %get3A_455 = arith.constant 32 : index
      %get3A_456 = tpu.vector_load %arg6[%get3A_453, %get3A_454, %get3A_455] {strides = array<i32>} : memref<2x128x100xi32, #tpu.memory_space<vmem>>, vector<1x1x16xi32>,
      %get3A_457 = vector.shape_cast %get3A_456 : vector<1x1x16xi32> to vector<16xi32>
      %gt3A_458 = arith.constant 0.000000e+00 : f32
      %gt3A_459 = vector.broadcast %gt3A_458 : f32 to vector<16xf32>
      %gt3A_460 = arith.cmpf ogt, %get3A_451, %gt3A_459 : vector<16xf32>
      %add3A_461 = arith.constant 65536 : i32
      %add3A_462 = vector.broadcast %add3A_461 : i32 to vector<16xi32>
      %add3A_463 = arith.addi %get3A_457, %add3A_462 : vector<16xi32>
      %select_n3A_464 = arith.select %gt3A_460, %add3A_463, %broadcast_in_dim3A_3 : vector<16xi1>, vector<16xi32>
      %add3A_465 = arith.addi %add3A_444, %select_n3A_464 : vector<16xi32>
      %add3A_466 = arith.addi %add3A_445, %get3A_457 : vector<16xi32>
      %get3A_467 = arith.constant 1 : i32
      %get3A_468 = arith.index_cast %get3A_467 : i32 to index
      %get3A_469 = arith.index_cast %scan3A_403 : i32 to index
      %get3A_470 = arith.constant 48 : index
      %get3A_471 = tpu.vector_load %arg5[%get3A_468, %get3A_469, %get3A_470] {strides = array<i32>} : memref<2x128x100xf32, #tpu.memory_space<vmem>>, vector<1x1x16xf32>,
      %get3A_472 = vector.shape_cast %get3A_471 : vector<1x1x16xf32> to vector<16xf32>
      %get3A_473 = arith.constant 1 : i32
      %get3A_474 = arith.index_cast %get3A_473 : i32 to index
      %get3A_475 = arith.index_cast %scan3A_403 : i32 to index
      %get3A_476 = arith.constant 48 : index
      %get3A_477 = tpu.vector_load %arg6[%get3A_474, %get3A_475, %get3A_476] {strides = array<i32>} : memref<2x128x100xi32, #tpu.memory_space<vmem>>, vector<1x1x16xi32>,
      %get3A_478 = vector.shape_cast %get3A_477 : vector<1x1x16xi32> to vector<16xi32>
      %gt3A_479 = arith.constant 0.000000e+00 : f32
      %gt3A_480 = vector.broadcast %gt3A_479 : f32 to vector<16xf32>
      %gt3A_481 = arith.cmpf ogt, %get3A_472, %gt3A_480 : vector<16xf32>
      %add3A_482 = arith.constant 65536 : i32
      %add3A_483 = vector.broadcast %add3A_482 : i32 to vector<16xi32>
      %add3A_484 = arith.addi %get3A_478, %add3A_483 : vector<16xi32>
      %select_n3A_485 = arith.select %gt3A_481, %add3A_484, %broadcast_in_dim3A_3 : vector<16xi1>, vector<16xi32>
      %add3A_486 = arith.addi %add3A_465, %select_n3A_485 : vector<16xi32>
      %add3A_487 = arith.addi %add3A_466, %get3A_478 : vector<16xi32>
      %get3A_488 = arith.constant 1 : i32
      %get3A_489 = arith.index_cast %get3A_488 : i32 to index
      %get3A_490 = arith.index_cast %scan3A_403 : i32 to index
      %get3A_491 = arith.constant 64 : index
      %get3A_492 = tpu.vector_load %arg5[%get3A_489, %get3A_490, %get3A_491] {strides = array<i32>} : memref<2x128x100xf32, #tpu.memory_space<vmem>>, vector<1x1x16xf32>,
      %get3A_493 = vector.shape_cast %get3A_492 : vector<1x1x16xf32> to vector<16xf32>
      %get3A_494 = arith.constant 1 : i32
      %get3A_495 = arith.index_cast %get3A_494 : i32 to index
      %get3A_496 = arith.index_cast %scan3A_403 : i32 to index
      %get3A_497 = arith.constant 64 : index
      %get3A_498 = tpu.vector_load %arg6[%get3A_495, %get3A_496, %get3A_497] {strides = array<i32>} : memref<2x128x100xi32, #tpu.memory_space<vmem>>, vector<1x1x16xi32>,
      %get3A_499 = vector.shape_cast %get3A_498 : vector<1x1x16xi32> to vector<16xi32>
      %gt3A_500 = arith.constant 0.000000e+00 : f32
      %gt3A_501 = vector.broadcast %gt3A_500 : f32 to vector<16xf32>
      %gt3A_502 = arith.cmpf ogt, %get3A_493, %gt3A_501 : vector<16xf32>
      %add3A_503 = arith.constant 65536 : i32
      %add3A_504 = vector.broadcast %add3A_503 : i32 to vector<16xi32>
      %add3A_505 = arith.addi %get3A_499, %add3A_504 : vector<16xi32>
      %select_n3A_506 = arith.select %gt3A_502, %add3A_505, %broadcast_in_dim3A_3 : vector<16xi1>, vector<16xi32>
      %add3A_507 = arith.addi %add3A_486, %select_n3A_506 : vector<16xi32>
      %add3A_508 = arith.addi %add3A_487, %get3A_499 : vector<16xi32>
      %get3A_509 = arith.constant 1 : i32
      %get3A_510 = arith.index_cast %get3A_509 : i32 to index
      %get3A_511 = arith.index_cast %scan3A_403 : i32 to index
      %get3A_512 = arith.constant 80 : index
      %get3A_513 = tpu.vector_load %arg5[%get3A_510, %get3A_511, %get3A_512] {strides = array<i32>} : memref<2x128x100xf32, #tpu.memory_space<vmem>>, vector<1x1x16xf32>,
      %get3A_514 = vector.shape_cast %get3A_513 : vector<1x1x16xf32> to vector<16xf32>
      %get3A_515 = arith.constant 1 : i32
      %get3A_516 = arith.index_cast %get3A_515 : i32 to index
      %get3A_517 = arith.index_cast %scan3A_403 : i32 to index
      %get3A_518 = arith.constant 80 : index
      %get3A_519 = tpu.vector_load %arg6[%get3A_516, %get3A_517, %get3A_518] {strides = array<i32>} : memref<2x128x100xi32, #tpu.memory_space<vmem>>, vector<1x1x16xi32>,
      %get3A_520 = vector.shape_cast %get3A_519 : vector<1x1x16xi32> to vector<16xi32>
      %gt3A_521 = arith.constant 0.000000e+00 : f32
      %gt3A_522 = vector.broadcast %gt3A_521 : f32 to vector<16xf32>
      %gt3A_523 = arith.cmpf ogt, %get3A_514, %gt3A_522 : vector<16xf32>
      %add3A_524 = arith.constant 65536 : i32
      %add3A_525 = vector.broadcast %add3A_524 : i32 to vector<16xi32>
      %add3A_526 = arith.addi %get3A_520, %add3A_525 : vector<16xi32>
      %select_n3A_527 = arith.select %gt3A_523, %add3A_526, %broadcast_in_dim3A_3 : vector<16xi1>, vector<16xi32>
      %add3A_528 = arith.addi %add3A_507, %select_n3A_527 : vector<16xi32>
      %add3A_529 = arith.addi %add3A_508, %get3A_520 : vector<16xi32>
      %get3A_530 = arith.constant 1 : i32
      %get3A_531 = arith.index_cast %get3A_530 : i32 to index
      %get3A_532 = arith.index_cast %scan3A_403 : i32 to index
      %get3A_533 = arith.constant 84 : index
      %get3A_534 = tpu.vector_load %arg5[%get3A_531, %get3A_532, %get3A_533] {strides = array<i32>} : memref<2x128x100xf32, #tpu.memory_space<vmem>>, vector<1x1x16xf32>,
      %get3A_535 = vector.shape_cast %get3A_534 : vector<1x1x16xf32> to vector<16xf32>
      %get3A_536 = arith.constant 1 : i32
      %get3A_537 = arith.index_cast %get3A_536 : i32 to index
      %get3A_538 = arith.index_cast %scan3A_403 : i32 to index
      %get3A_539 = arith.constant 84 : index
      %get3A_540 = tpu.vector_load %arg6[%get3A_537, %get3A_538, %get3A_539] {strides = array<i32>} : memref<2x128x100xi32, #tpu.memory_space<vmem>>, vector<1x1x16xi32>,
      %get3A_541 = vector.shape_cast %get3A_540 : vector<1x1x16xi32> to vector<16xi32>
      %gt3A_542 = arith.constant 0.000000e+00 : f32
      %gt3A_543 = vector.broadcast %gt3A_542 : f32 to vector<16xf32>
      %gt3A_544 = arith.cmpf ogt, %get3A_535, %gt3A_543 : vector<16xf32>
      %and3A_545 = arith.andi %gt3A_544, %ge3A_5 : vector<16xi1>
      %add3A_546 = arith.constant 65536 : i32
      %add3A_547 = vector.broadcast %add3A_546 : i32 to vector<16xi32>
      %add3A_548 = arith.addi %get3A_541, %add3A_547 : vector<16xi32>
      %select_n3A_549 = arith.select %and3A_545, %add3A_548, %broadcast_in_dim3A_3 : vector<16xi1>, vector<16xi32>
      %add3A_550 = arith.addi %add3A_528, %select_n3A_549 : vector<16xi32>
      %select_n3A_551 = arith.select %ge3A_5, %get3A_541, %broadcast_in_dim3A_3 : vector<16xi1>, vector<16xi32>
      %add3A_552 = arith.addi %add3A_529, %select_n3A_551 : vector<16xi32>
      scf.yield %add3A_550, %add3A_552 : vector<16xi32>, vector<16xi32>
    }
    %scan3A_242 = arith.constant 128 : i32
    %swap3A = arith.constant 0 : i32
    %swap3A_243 = arith.index_cast %swap3A : i32 to index
    %swap3A_244 = arith.constant 0 : index
    %swap3A_245 = tpu.vector_load %arg7[%swap3A_243, %swap3A_244] {strides = array<i32>} : memref<2x16xi32, #tpu.memory_space<vmem>>, vector<1x16xi32>,
    %swap3A_246 = vector.shape_cast %swap3A_245 : vector<1x16xi32> to vector<16xi32>
    %swap3A_247 = vector.shape_cast %scan3A_241#0 : vector<16xi32> to vector<1x16xi32>
    tpu.vector_store %arg7[%swap3A_243, %swap3A_244], %swap3A_247 {strides = array<i32>} : memref<2x16xi32, #tpu.memory_space<vmem>>, vector<1x16xi32>,
    %swap3A_248 = arith.constant 1 : i32
    %swap3A_249 = arith.index_cast %swap3A_248 : i32 to index
    %swap3A_250 = arith.constant 0 : index
    %swap3A_251 = tpu.vector_load %arg7[%swap3A_249, %swap3A_250] {strides = array<i32>} : memref<2x16xi32, #tpu.memory_space<vmem>>, vector<1x16xi32>,
    %swap3A_252 = vector.shape_cast %swap3A_251 : vector<1x16xi32> to vector<16xi32>
    %swap3A_253 = vector.shape_cast %scan3A_241#1 : vector<16xi32> to vector<1x16xi32>
    tpu.vector_store %arg7[%swap3A_249, %swap3A_250], %swap3A_253 {strides = array<i32>} : memref<2x16xi32, #tpu.memory_space<vmem>>, vector<1x16xi32>,
    "tpu.region"() ({
      %run_scoped3A = tpu.sem_alloc : memref<!tpu.dma_semaphore, #tpu.memory_space<semaphore_mem>>
      %dma_start3A_254 = arith.constant 0 : i32
      %dma_start3A_255 = arith.constant 0 : i32
      %dma_start3A_256 = tpu.memref_slice %arg4[%add3A, %dma_start3A_254, %dma_start3A_255] : memref<32x2x16xi32, #tpu.memory_space<hbm>> -> memref<1x2x16xi32, #tpu.memory_space<hbm>>
      %dma_start3A_257 = tpu.memref_squeeze %dma_start3A_256 : memref<1x2x16xi32, #tpu.memory_space<hbm>> -> memref<2x16xi32, #tpu.memory_space<hbm>>
      %dma_start3A_258 = arith.constant 0 : i32
      %dma_start3A_259 = arith.constant 0 : i32
      %dma_start3A_260 = tpu.memref_slice %arg4[%add3A, %dma_start3A_258, %dma_start3A_259] : memref<32x2x16xi32, #tpu.memory_space<hbm>> -> memref<1x2x16xi32, #tpu.memory_space<hbm>>
      %dma_start3A_261 = tpu.memref_squeeze %dma_start3A_260 : memref<1x2x16xi32, #tpu.memory_space<hbm>> -> memref<2x16xi32, #tpu.memory_space<hbm>>
      tpu.enqueue_dma source(%arg7 : memref<2x16xi32, #tpu.memory_space<vmem>>) target(%dma_start3A_261 : memref<2x16xi32, #tpu.memory_space<hbm>>) target_semaphore(%run_scoped3A : memref<!tpu.dma_semaphore, #tpu.memory_space<semaphore_mem>>)
      %dma_wait3A_262 = arith.constant 0 : i32
      %dma_wait3A_263 = arith.constant 0 : i32
      %dma_wait3A_264 = tpu.memref_slice %arg4[%add3A, %dma_wait3A_262, %dma_wait3A_263] : memref<32x2x16xi32, #tpu.memory_space<hbm>> -> memref<1x2x16xi32, #tpu.memory_space<hbm>>
      %dma_wait3A_265 = tpu.memref_squeeze %dma_wait3A_264 : memref<1x2x16xi32, #tpu.memory_space<hbm>> -> memref<2x16xi32, #tpu.memory_space<hbm>>
      %dma_wait3A_266 = arith.constant 0 : i32
      %dma_wait3A_267 = arith.constant 0 : i32
      %dma_wait3A_268 = tpu.memref_slice %arg4[%add3A, %dma_wait3A_266, %dma_wait3A_267] : memref<32x2x16xi32, #tpu.memory_space<hbm>> -> memref<1x2x16xi32, #tpu.memory_space<hbm>>
      %dma_wait3A_269 = tpu.memref_squeeze %dma_wait3A_268 : memref<1x2x16xi32, #tpu.memory_space<hbm>> -> memref<2x16xi32, #tpu.memory_space<hbm>>
      tpu.wait_dma2 semaphore(%run_scoped3A : memref<!tpu.dma_semaphore, #tpu.memory_space<semaphore_mem>>) src(%arg7 : memref<2x16xi32, #tpu.memory_space<vmem>>) dst(%dma_wait3A_269 : memref<2x16xi32, #tpu.memory_space<hbm>>)
      tpu.yield
    }) : () -> ()
    return
  }
}

</mosaic_0001>

<sc_bundles>
// kernel: kernel.3.cloned.1.call-start
scs
__scs_entry_jumppad:
0x0: {  	(pc) =	sbr.rel $0x88, $3  }
0x1: {  	(tag) =	ssettag $0x0;
	lr =	simm.s32 $0x1  }
0x2: {  	[smem:$0x3F9F] =	sst lr;
	_ =	strace $0xD0000000  }
0x3: {  	_ = 	snop  }
0x4: {  	_ = 	snop  }
0x5: {  	_ = 	snop  }
0x6: {  	_ = 	snop  }
0x7: {  	_ = 	snop  }
__scs_overlays_trampoline_lowered:
0x8: {  	[smem:$0x3FAE] =	sst s0  }
0x9: {  	[smem:$0x3FAF] =	sst s1  }
0xa: {  	[smem:$0x3FB0] =	sst s2  }
0xb: {  	[smem:$0x3FB1] =	sst s3  }
0xc: {  	[smem:$0x3FB2] =	sst s4  }
0xd: {  	[smem:$0x3FB3] =	sst s5  }
0xe: {  	[smem:$0x3FB4] =	sst s6  }
0xf: {  	[smem:$0x3FB5] =	sst s7  }
0x10: {  	[smem:$0x3FB6] =	sst s8  }
0x11: {  	[smem:$0x3FB7] =	sst s9;
	s0 =	simm.s32 @!p0 $0x0  }
0x12: {  	s1 =	sld [smem:$0x3F9D];
	s0 =	simm.s32 @p0 $0x1  }
0x13: {  	[smem:$0x3FB8] =	sst s0;
	s0 =	simm.s32 @!p1 $0x0  }
0x14: {  	s2 =	sld [smem:$0x3F9C];
	s0 =	simm.s32 @p1 $0x1  }
0x15: {  	[smem:$0x3FB9] =	sst s0;
	s0 =	simm.s32 @!p2 $0x0  }
0x16: {  	s3 =	sld [smem:$0x3FDB];
	s0 =	simm.s32 @p2 $0x1  }
0x17: {  	s4 =	simm.s32 $0x1BF5;
	[smem:$0x3FBB] =	sst s0  }
0x18: {  	s0 =	sld [smem:$0x3F9E];
	_ =	swait.ge [sflag:s4], $0x0  }
0x19: {  	s7 =	sld [smem:$0x3F9F]  }
0x1a: {  	s8 =	sadd.s32 $0xFFFFE003, lr  }
0x1b: {  	s9 =	sadd.s32 $0xFFFFFEF7, lr;
	s5 =	simm.s32 $0xFFFFFFFF;
	p2 =	slt.u32 s8, $0xFFFFF086  }
0x1c: {  	p1 =	slt.u32 s9, $0xF7A;
	s5 =	simm.s32 @!p2 $0x0  }
0x1d: {  	s5 =	simm.s32 @p1 $0x1;
	p0 =	seq.s32 s7, s2  }
0x1e: {  	s7 =	smul.u32 @!p0 $0xF7A, s2;
	p2 =	seq.s32 @!p0 s5, $0x0  }
0x1f: {  	s9 =	smul.u32 $0xF7A, s1;
	s8 =	simm.s32 @!p0 $0x1BF5;
	p2 =	por !p2, p0  }
0x20: {  	[sflag:s8] =	ssyncset.s32 @!p0 $0xFFFFF086;
	s6 =	sadd.s32 @!p0 s3, s7;
	s7 =	simm.s32 @!p0 $0x108  }
0x21: {  	s3 =	sadd.s32 s3, s9;
	s6 =	sadd.s32 @!p0 $0x88, s6;
	s7 =	simm.s32 @p2 $0x1082  }
0x22: {  	[simem:s7], [sflag:s8] =	dma.local @!p0 [hbm:s6], $0xF7A  }
0x23: {  	s9 =	sor.u32 $0xD0000000, s2;
	s6 =	simm.s32 $0x108;
	_ =	swait.ge @!p0 [sflag:s8], $0x0  }
0x24: {  	s3 =	sadd.s32 $0x88, s3;
	s6 =	simm.s32 @!p1 $0x1082;
	[sflag:s4] =	ssyncset.s32 $0xFFFFF086  }
0x25: {  	[simem:s6], [sflag:s4] =	dma.local [hbm:s3], $0xF7A  }
0x26: {  	[smem:$0x3F9F] =	sst s1;
	(tag) =	ssettag s2;
	_ =	strace s9  }
0x27: {  	s1 =	sld [smem:$0x3FAF]  }
0x28: {  	s2 =	sld [smem:$0x3FB0]  }
0x29: {  	s4 =	sld [smem:$0x3FB2]  }
0x2a: {  	p0 =	seq.s32 s5, $0x0;
	s5 =	sld [smem:$0x3FB3]  }
0x2b: {  	s6 =	sld [smem:$0x3FB4]  }
0x2c: {  	s7 =	sld [smem:$0x3FB5]  }
0x2d: {  	s3 =	simm.s32 $0x108;
	s8 =	sld [smem:$0x3FB6]  }
0x2e: {  	s3 =	simm.s32 @!p0 $0x1082;
	s9 =	sld [smem:$0x3FB7]  }
0x2f: {  	lr =	sadd.s32 s0, s3;
	s0 =	sld [smem:$0x3FAE]  }
0x30: {  	s3 =	sld [smem:$0x3FB1]  }
0x31: {  	[smem:$0x3FBA] =	sst s10  }
0x32: {  	s10 =	sld [smem:$0x3FB8];
	_ =	sdelay $0x3  }
0x33: {  	p0 =	seq.s32 s10, $0x1;
	s10 =	sld [smem:$0x3FBA];
	_ =	sdelay $0x3  }
0x34: {  	[smem:$0x3FBA] =	sst s10  }
0x35: {  	s10 =	sld [smem:$0x3FB9];
	_ =	sdelay $0x3  }
0x36: {  	p1 =	seq.s32 s10, $0x1;
	s10 =	sld [smem:$0x3FBA];
	_ =	sdelay $0x3  }
0x37: {  	[smem:$0x3FBA] =	sst s10  }
0x38: {  	s10 =	sld [smem:$0x3FBB]  }
0x39: {  	_ = 	snop;
	(pc) =	sbr.ind lr, $3  }
0x3a: {  	_ = 	snop  }
0x3b: {  	_ = 	snop  }
0x3c: {  	p2 =	seq.s32 s10, $0x1;
	s10 =	sld [smem:$0x3FBA]  }
0x3d: {  	_ =	shalt  }
0x3e: {  	_ =	shalt  }
0x3f: {  	_ =	shalt  }
0x40: {  	_ =	shalt  }
0x41: {  	_ =	shalt  }
0x42: {  	_ =	shalt  }
0x43: {  	_ =	shalt  }
0x44: {  	_ =	shalt  }
0x45: {  	_ =	shalt  }
0x46: {  	_ =	shalt  }
0x47: {  	_ =	shalt  }
0x48: {  	_ =	shalt  }
0x49: {  	_ =	shalt  }
0x4a: {  	_ =	shalt  }
0x4b: {  	_ =	shalt  }
0x4c: {  	_ =	shalt  }
0x4d: {  	_ =	shalt  }
0x4e: {  	_ =	shalt  }
0x4f: {  	_ =	shalt  }
0x50: {  	_ =	shalt  }
0x51: {  	_ =	shalt  }
0x52: {  	_ =	shalt  }
0x53: {  	_ =	shalt  }
0x54: {  	_ =	shalt  }
0x55: {  	_ =	shalt  }
0x56: {  	_ =	shalt  }
0x57: {  	_ =	shalt  }
0x58: {  	_ =	shalt  }
0x59: {  	_ =	shalt  }
0x5a: {  	_ =	shalt  }
0x5b: {  	_ =	shalt  }
0x5c: {  	_ =	shalt  }
0x5d: {  	_ =	shalt  }
0x5e: {  	_ =	shalt  }
0x5f: {  	_ =	shalt  }
0x60: {  	_ =	shalt  }
0x61: {  	_ =	shalt  }
0x62: {  	_ =	shalt  }
0x63: {  	_ =	shalt  }
0x64: {  	_ =	shalt  }
0x65: {  	_ =	shalt  }
0x66: {  	_ =	shalt  }
0x67: {  	_ =	shalt  }
0x68: {  	_ =	shalt  }
0x69: {  	_ =	shalt  }
0x6a: {  	_ =	shalt  }
0x6b: {  	_ =	shalt  }
0x6c: {  	_ =	shalt  }
0x6d: {  	_ =	shalt  }
0x6e: {  	_ =	shalt  }
0x6f: {  	_ =	shalt  }
0x70: {  	_ =	shalt  }
0x71: {  	_ =	shalt  }
0x72: {  	_ =	shalt  }
0x73: {  	_ =	shalt  }
0x74: {  	_ =	shalt  }
0x75: {  	_ =	shalt  }
0x76: {  	_ =	shalt  }
0x77: {  	_ =	shalt  }
0x78: {  	_ =	shalt  }
0x79: {  	_ =	shalt  }
0x7a: {  	_ =	shalt  }
0x7b: {  	_ =	shalt  }
0x7c: {  	_ =	shalt  }
0x7d: {  	_ =	shalt  }
0x7e: {  	_ =	shalt  }
0x7f: {  	_ =	shalt  }
0x80: {  	_ =	shalt  }
0x81: {  	_ =	shalt  }
0x82: {  	_ =	shalt  }
0x83: {  	_ =	shalt  }
0x84: {  	_ =	shalt  }
0x85: {  	_ =	shalt  }
0x86: {  	_ =	shalt  }
0x87: {  	_ =	shalt  }
.Lfunc_end0:
.L_simem_size_0:
called_computation_lowered:
.L_overlay_start_0:
0x88: {  	s2 =	sld [smem:$0x3FD9]  }
0x89: {  	s3 =	sld [smem:$0x3FFE];
	_ =	sdelay $0x1  }
0x8a: {  	s1 =	srdreg.scid  }
0x8b: {  	s0 =	sand.u32 $0x1, s1  }
0x8c: {  	s16 =	sshll.u32 s0, $0xA;
	s2 =	sadd.s32 s3, s2  }
0x8d: {  	s2 =	sadd.s32 s2, s16  }
0x8e: {  	[smem:$0x3FC6] =	sst s2  }
0x8f: {  	_ = 	snop  }
0x90: {  	(tm) =	ssettm $0x1  }
0x91: {  	s17 =	sld [smem:$0x3FFB];
	_ =	sdelay $0x3  }
0x92: {  	_ =	strace s17  }
0x93: {  	s2 =	sld [smem:$0x3FFC];
	_ =	sdelay $0x3  }
0x94: {  	_ =	strace s2  }
0x95: {  	s2 =	sld [smem:$0x3FFD];
	_ =	sdelay $0x3  }
0x96: {  	_ =	strace s2  }
0x97: {  	_ =	strace $0x8FFFFFFF  }
0x98: {  	s18 =	sld [smem:$0x3FDB];
	_ =	sdelay $0x1  }
0x99: {  	s19 =	simm.s32 $_scs_section_size  }
0x9a: {  	s4 =	simm.s32 $_size__tile_overlayer_lowered;
	s5 =	simm.s32 $_tile_overlayer_lowered  }
0x9b: {  	s22 =	simm.s32 $0x1BFF;
	s21 =	sshll.u32 s5, $0x1;
	s2 =	sadd.s32 s19, s18  }
0x9c: {  	s6 =	simm.s32 $0x0;
	s20 =	sshll.u32 s4, $0x1;
	s4 =	sadd.s32 s21, s2  }
0x9d: {  	[timem:s6], [sflag:s22] =	dma.local [hbm:s4], s20  }
0x9e: {  	_ =	swait.ge [sflag:s22], s20  }
0x9f: {  	s3 =	ssub.s32 $0x0, s20;
	[sflag:s22] =	ssyncset.done $0x0  }
0xa0: {  	[sflag:s22] =	ssyncadd.s32 s3;
	_ =	sdelay $0x1  }
0xa1: {  	s23 =	simm.s32 $0x1B8B  }
0xa2: {  	_ =	swait.ge [sflag:s23], $0x1  }
0xa3: {  	[sflag:s23] =	ssyncset.done $0x0  }
0xa4: {  	s25 =	simm.s32 $0x1B8E;
	s24 =	sld [smem:$0x3FFE];
	[sflag:s23] =	ssyncadd.s32 $0xFFFFFFFF  }
0xa5: {  	s26 =	simm.s32 $execute0_lowered;
	[smem:$0x3FD2] =	sst s25  }
0xa6: {  	s4 =	sshll.u32 s26, $0x1;
	_ =	strace $0x80000046;
	[dreg:$0x1] =	wrdreg $0xFFFFFFFF  }
0xa7: {  	s28 =	simm.s32 $_size_execute0_lowered;
	s2 =	sadd.s32 s2, s4;
	[dreg:$0x0] =	wrdreg $0x0  }
0xa8: {  	s4 =	sshll.u32 s28, $0x1;
	[dreg:$0x2] =	wrdreg s2  }
0xa9: {  	[dreg:$0x3] =	wrdreg s4  }
0xaa: {  	[dreg:$0x4] =	wrdreg $0xC0  }
0xab: {  	_ =	task [dreg:s6], $0x5FFFF  }
0xac: {  	[dreg:$0x1] =	wrdreg $0xFFFFFFFF  }
0xad: {  	[dreg:$0x0] =	wrdreg $0x60  }
0xae: {  	[dreg:$0x2] =	wrdreg s24  }
0xaf: {  	[dreg:$0x3] =	wrdreg $0x9  }
0xb0: {  	_ =	task.clear_ibuf [dreg:s6], $0x4FFFF;
	_ =	strace $0x90000046  }
0xb1: {  	s29 =	simm.s32 $0x9;
	_ =	strace $0x80000048  }
0xb2: {  	_ =	swait.ge [sflag:s29], $0x1  }
0xb3: {  	[sflag:s29] =	ssyncadd.s32 $0xFFFFFFFF  }
0xb4: {  	_ =	strace $0x90000048  }
0xb5: {  	_ =	sfence  }
0xb6: {  	s30 =	sld [smem:$0x0];
	_ =	sdelay $0x2  }
0xb7: {  	s31 =	sshll.u32 s1, $0xD;
	s1 =	sshrl.u32 s1, $0x2  }
0xb8: {  	s3 =	sand.u32 $0x4000, s31;
	s1 =	sadd.s32 s1, s30  }
0xb9: {  	s0 =	sor.u32 s3, s0;
	s1 =	sshll.u32 s1, $0x11  }
0xba: {  	s0 =	sor.u32 s1, s0  }
0xbb: {  	s0 =	sadd.s32 $0x8F2B, s0  }
0xbc: {  	[sflag:s0] =	ssyncadd.remote.s32 $0x1  }
0xbd: {  	_ =	sfence.sel $0xFFFF  }
0xbe: {  	[dreg:$0x0] =	wrdreg $0xFFFFFFFF;
	(pc) =	sbr.abs _section_cstart, $3  }
0xbf: {  	[dreg:$0x1] =	wrdreg $0xFFFFFFFF  }
0xc0: {  	_ =	task.clear_ibuf [dreg:s6], $0x2FFFF;
	_ =	strace $0x9FFFFFFF  }
0xc1: {  	(tm) =	ssettm $0x7FFFFFFF  }
tec
execute0_lowered:
.L_overlay_start_1:
0x0: {  	(tag) =	ssettag $0x1  }
0x1: {  	s9 =	rddreg [dreg:$0x0]  }
0x2: {  	s0 =	rddreg [dreg:$0x1]  }
0x3: {  	s2 =	simm.s32 $0x0;
	s3 =	srdreg.scid;
	s1 =	stileid.u32  }
0x4: {  	s14 =	simm.s32 $0x4000;
	s15 =	simm.s32 $0xC000;
	s16 =	simm.s32 $0x1  }
0x5: {  	s17 =	simm.s32 $0x2;
	s18 =	simm.s32 $0x10000;
	s19 =	simm.s32 $0x3  }
0x6: {  	s20 =	simm.s32 $0x0;
	s3 =	sand.u32 $0x1, s3;
	s4 =	sshll.u32 s1, $0x1  }
0x7: {  	[smem:$0x7FF] =	sst s2;
	s10 =	sadd.s32 $0x40000, s9;
	s4 =	sor.u32 s3, s4  }
0x8: {  	_ =	strace $0x80000047;
	s3 =	ssub.s32 $0x2, s3;
	s5 =	sshll.u32 s4, $0x5  }
0x9: {  	s6 =	sshrl.u32 s3, $0x1;
	s13 =	sshll.u32 s4, $0xD;
	s11 =	sadd.s32 s5, s9  }
0xa: {  	s12 =	ssub.s32 s3, s6;
	s3 =	sadd.s32 s9, s13;
	s4 =	sadd.s32 s10, s13  }
0xb: {  	s31 =	sor.u32 $0x800, s13;
	s8 =	sor.u32 $0x1000, s13;
	s13 =	sor.u32 $0x1800, s13  }
0xc: {  	s5 =	sadd.s32 s9, s31;
	s6 =	sadd.s32 s10, s31;
	s7 =	sadd.s32 s9, s8  }
0xd: {  	s8 =	sadd.s32 s10, s8;
	s9 =	sadd.s32 s9, s13;
	s10 =	sadd.s32 s10, s13  }
0xe: {  	vm0 =	vcmask $0x3F30;
	vm1 =	vmmov $0xfff;
	s11 =	sadd.s32 $0x80000, s11;
	s12 =	smax.u32 s12, $0x1;
	s13 =	simm.s32 $0x8000  }
.LBB2_1:
0xf: {  	[tilespmem:s2], [sflag:$0x1] =	stream.linear.gather [hbm4b:s3+s2], $0x4000, $0x38;
	[tilespmem:$0x10100] =	vst v63  }
0x10: {  	_ = 	snop  }
0x11: {  	[tilespmem:s13], [sflag:$0x1] =	stream.linear.gather [hbm4b:s4+s2], $0x4000, $0x38;
	[tilespmem:$0x10100] =	vst v63  }
0x12: {  	_ = 	snop  }
0x13: {  	[tilespmem:s14], [sflag:$0x2] =	stream.linear.gather [hbm4b:s5+s2], $0x4000, $0x38;
	[tilespmem:$0x10100] =	vst v63  }
0x14: {  	_ = 	snop  }
0x15: {  	[tilespmem:s15], [sflag:$0x2] =	stream.linear.gather [hbm4b:s6+s2], $0x4000, $0x38;
	[tilespmem:$0x10100] =	vst v63  }
0x16: {  	_ =	swait.ge [sflag:s16], $0x4000  }
0x17: {  	[sflag:s16] =	ssyncset.done $0x0  }
0x18: {  	[sflag:s16] =	ssyncadd.s32 $0xFFFFC000  }
0x19: {  	_ =	swait.ge [sflag:s16], $0x4000  }
0x1a: {  	[sflag:s16] =	ssyncset.done $0x0  }
0x1b: {  	s23 =	simm.s32 $0x8080;
	[sflag:s16] =	ssyncadd.s32 $0xFFFFC000  }
0x1c: {  	v0 =	vld [tilespmem:s23+$0xFFFFFFD4]  }
0x1d: {  	s21 =	simm.s32 $0x80;
	v1 =	vld [tilespmem:s23+$0xFFFFFF80]  }
0x1e: {  	v2 =	vld [tilespmem:s21+$0xFFFFFF80]  }
0x1f: {  	v3 =	vld [tilespmem:s23+$0xFFFFFF90]  }
0x20: {  	v4 =	vld [tilespmem:s23+$0xFFFFFFA0]  }
0x21: {  	v5 =	vld [tilespmem:s23+$0xFFFFFFB0]  }
0x22: {  	v6 =	vld [tilespmem:s23+$0xFFFFFFC0]  }
0x23: {  	v7 =	vld [tilespmem:s23+$0xFFFFFFD0]  }
0x24: {  	v8 =	vld [tilespmem:s21+$0xFFFFFFD4]  }
0x25: {  	v9 =	vld [tilespmem:s21+$0xFFFFFF90]  }
0x26: {  	v11 =	vld [tilespmem:s21+$0xFFFFFFA0]  }
0x27: {  	v14 =	vld [tilespmem:s21+$0xFFFFFFB0]  }
0x28: {  	v10 =	vimm.s32 $0x0;
	v20 =	vld [tilespmem:s21+$0xFFFFFFD0];
	v12 =	vadd.s32 $0x10000, v0  }
0x29: {  	v13 =	vadd.s32 $0x10000, v3;
	v15 =	vadd.s32 $0x10000, v6;
	v0 =	vsel vm1, $0x0, v0  }
0x2a: {  	v16 =	vadd.s32 $0x10000, v4;
	v17 =	vadd.s32 $0x10000, v5;
	v19 =	vadd.s32 $0x10000, v7  }
0x2b: {  	v18 =	vld [tilespmem:s21+$0xFFFFFFC0];
	vm2 =	vgt.f32 v2, $0.0e+00;
	v2 =	vadd.s32 $0x10000, v1;
	v1 =	vadd.s32 v10, v1  }
0x2c: {  	v60 =	vld [tilespmem:s23+$0x10];
	vm3 =	vgt.f32 v11, $0.0e+00;
	vm4 =	vgt.f32 v8, $0.0e+00;
	vm15 =	vgt.f32 v14, $0.0e+00  }
0x2d: {  	v62 =	vld [tilespmem:s23+$0x30];
	vm5 =	vgt.f32 v20, $0.0e+00;
	v2 =	vnsel vm2, $0x0, v2;
	vm2 =	vgt.f32 v9, $0.0e+00  }
0x2e: {  	v1 =	vadd.s32 v3, v1;
	v3 =	vld [tilespmem:s23+$0x0];
	v8 =	vnsel vm3, $0x0, v16;
	vm3 =	vmand vm4, vm0  }
0x2f: {  	v1 =	vadd.s32 v4, v1;
	v4 =	vld [tilespmem:s21+$0x0];
	v2 =	vadd.s32 v10, v2;
	v10 =	vnsel vm15, $0x0, v17  }
0x30: {  	v61 =	vld [tilespmem:s23+$0x20];
	v1 =	vadd.s32 v5, v1;
	v5 =	vnsel vm2, $0x0, v13;
	vm2 =	vgt.f32 v18, $0.0e+00  }
0x31: {  	v12 =	vnsel vm3, $0x0, v12;
	v1 =	vadd.s32 v6, v1;
	v6 =	vld [tilespmem:s21+$0x20];
	v11 =	vnsel vm2, $0x0, v15  }
0x32: {  	v9 =	vld [tilespmem:s21+$0x10];
	v5 =	vadd.s32 v5, v2;
	v1 =	vadd.s32 v7, v1;
	v7 =	vnsel vm5, $0x0, v19  }
0x33: {  	v2 =	vld [tilespmem:s21+$0x30];
	v0 =	vadd.s32 v0, v1;
	v1 =	vadd.s32 v8, v5;
	v8 =	vadd.s32 $0x10000, v62  }
0x34: {  	v5 =	vld [tilespmem:s23+$0x40];
	vm2 =	vgt.f32 v4, $0.0e+00;
	v4 =	vadd.s32 $0x10000, v3;
	v0 =	vadd.s32 v3, v0  }
0x35: {  	v3 =	vadd.s32 v10, v1;
	v1 =	vld [tilespmem:s21+$0x54];
	v10 =	vadd.s32 $0x10000, v61;
	v4 =	vnsel vm2, $0x0, v4  }
0x36: {  	v3 =	vadd.s32 v11, v3;
	vm3 =	vgt.f32 v6, $0.0e+00;
	v6 =	vadd.s32 v60, v0;
	v0 =	vld [tilespmem:s23+$0x50]  }
0x37: {  	vm2 =	vgt.f32 v9, $0.0e+00;
	v3 =	vadd.s32 v7, v3;
	v7 =	vld [tilespmem:s21+$0x40];
	v6 =	vadd.s32 v61, v6  }
0x38: {  	v9 =	vadd.s32 $0x10000, v60;
	v3 =	vadd.s32 v12, v3;
	v63 =	vadd.s32 v62, v6;
	v6 =	vld [tilespmem:s21+$0x50]  }
0x39: {  	s22 =	simm.s32 $0x0;
	v10 =	vnsel vm3, $0x0, v10;
	v11 =	vadd.s32 v4, v3;
	v3 =	vld [tilespmem:s23+$0x54];
	s23 =	simm.s32 $0x8180;
	v4 =	vadd.s32 v5, v63  }
.LBB2_2:
0x3a: {  	v12 =	vld [tilespmem:s23+$0xFFFFFFD4];
	s22 =	sadd.s32 $0x2, s22;
	v9 =	vnsel vm2, $0x0, v9;
	vm2 =	vgt.f32 v2, $0.0e+00;
	v2 =	vadd.s32 $0x10000, v5;
	s21 =	sadd.s32 $0x100, s21  }
0x3b: {  	v5 =	vld [tilespmem:s23+$0xFFFFFF80];
	p0 =	slt.u32 s22, $0x7E;
	v9 =	vadd.s32 v9, v11;
	v8 =	vnsel vm2, $0x0, v8;
	vm2 =	vgt.f32 v1, $0.0e+00  }
0x3c: {  	v1 =	vld [tilespmem:s21+$0xFFFFFF80];
	v9 =	vadd.s32 v10, v9;
	vm3 =	vgt.f32 v7, $0.0e+00;
	v7 =	vadd.s32 $0x10000, v0  }
0x3d: {  	v10 =	vld [tilespmem:s23+$0xFFFFFF90];
	v8 =	vadd.s32 v8, v9;
	v2 =	vnsel vm3, $0x0, v2;
	vm3 =	vgt.f32 v6, $0.0e+00  }
0x3e: {  	vm2 =	vmand vm2, vm0;
	v6 =	vld [tilespmem:s23+$0xFFFFFFA0];
	v2 =	vadd.s32 v2, v8;
	v7 =	vnsel vm3, $0x0, v7  }
0x3f: {  	v0 =	vadd.s32 v0, v4;
	v4 =	vsel vm1, $0x0, v3;
	v8 =	vld [tilespmem:s23+$0xFFFFFFB0];
	v2 =	vadd.s32 v7, v2  }
0x40: {  	v3 =	vadd.s32 $0x10000, v3;
	v0 =	vadd.s32 v4, v0;
	v7 =	vld [tilespmem:s23+$0xFFFFFFC0]  }
0x41: {  	v3 =	vnsel vm2, $0x0, v3;
	v4 =	vld [tilespmem:s23+$0xFFFFFFD0]  }
0x42: {  	v2 =	vadd.s32 v3, v2;
	v9 =	vld [tilespmem:s21+$0xFFFFFFD4]  }
0x43: {  	v3 =	vld [tilespmem:s21+$0xFFFFFF90]  }
0x44: {  	v13 =	vadd.s32 $0x10000, v12;
	v11 =	vld [tilespmem:s21+$0xFFFFFFA0]  }
0x45: {  	v12 =	vsel vm1, $0x0, v12;
	v14 =	vadd.s32 $0x10000, v10;
	v15 =	vld [tilespmem:s21+$0xFFFFFFB0];
	v16 =	vadd.s32 $0x10000, v7  }
0x46: {  	v17 =	vadd.s32 $0x10000, v6;
	v18 =	vadd.s32 $0x10000, v8;
	v19 =	vld [tilespmem:s21+$0xFFFFFFC0];
	v20 =	vadd.s32 $0x10000, v4  }
0x47: {  	v0 =	vadd.s32 v0, v5;
	vm2 =	vgt.f32 v1, $0.0e+00;
	v1 =	vadd.s32 $0x10000, v5;
	v5 =	vld [tilespmem:s21+$0xFFFFFFD0]  }
0x48: {  	v1 =	vnsel vm2, $0x0, v1;
	v0 =	vadd.s32 v10, v0;
	vm2 =	vgt.f32 v3, $0.0e+00;
	v3 =	vld [tilespmem:s23+$0x0]  }
0x49: {  	v0 =	vadd.s32 v6, v0;
	vm4 =	vgt.f32 v9, $0.0e+00;
	vm3 =	vgt.f32 v11, $0.0e+00;
	v6 =	vld [tilespmem:s21+$0x0]  }
0x4a: {  	v0 =	vadd.s32 v8, v0;
	v9 =	vnsel vm3, $0x0, v17;
	vm3 =	vmand vm4, vm0;
	v8 =	vld [tilespmem:s21+$0x10]  }
0x4b: {  	v0 =	vadd.s32 v7, v0;
	v10 =	vnsel vm2, $0x0, v14;
	vm2 =	vgt.f32 v19, $0.0e+00;
	v7 =	vld [tilespmem:s21+$0x20]  }
0x4c: {  	vm4 =	vgt.f32 v15, $0.0e+00;
	v11 =	vnsel vm2, $0x0, v16;
	vm5 =	vgt.f32 v5, $0.0e+00;
	v14 =	vld [tilespmem:s23+$0x10]  }
0x4d: {  	v1 =	vadd.s32 v2, v1;
	v15 =	vnsel vm4, $0x0, v18;
	v13 =	vnsel vm3, $0x0, v13;
	v16 =	vld [tilespmem:s23+$0x20]  }
0x4e: {  	v0 =	vadd.s32 v4, v0;
	v2 =	vadd.s32 $0x10000, v3;
	vm2 =	vgt.f32 v6, $0.0e+00;
	v4 =	vld [tilespmem:s23+$0x30]  }
0x4f: {  	v0 =	vadd.s32 v12, v0;
	v1 =	vadd.s32 v10, v1;
	v10 =	vnsel vm2, $0x0, v2;
	v2 =	vld [tilespmem:s21+$0x30]  }
0x50: {  	v1 =	vadd.s32 v9, v1;
	v0 =	vadd.s32 v3, v0;
	vm3 =	vgt.f32 v7, $0.0e+00;
	v5 =	vld [tilespmem:s23+$0x40]  }
.Ltmp0:
0x51: {  	v3 =	vadd.s32 v15, v1;
	vm2 =	vgt.f32 v8, $0.0e+00;
	v6 =	vadd.s32 v14, v0;
	v1 =	vld [tilespmem:s21+$0x54];
	(pc) =	sbr.rel @p0 .LBB2_2-.Ltmp0, $4  }
0x52: {  	v3 =	vadd.s32 v11, v3;
	v7 =	vnsel vm5, $0x0, v20;
	v9 =	vadd.s32 $0x10000, v14;
	v0 =	vld [tilespmem:s23+$0x50]  }
0x53: {  	v3 =	vadd.s32 v7, v3;
	v6 =	vadd.s32 v16, v6;
	v8 =	vadd.s32 $0x10000, v4;
	v7 =	vld [tilespmem:s21+$0x40]  }
0x54: {  	v3 =	vadd.s32 v13, v3;
	v12 =	vadd.s32 $0x10000, v16;
	v4 =	vadd.s32 v4, v6;
	v6 =	vld [tilespmem:s21+$0x50]  }
0x55: {  	v11 =	vadd.s32 v10, v3;
	v10 =	vnsel vm3, $0x0, v12;
	v4 =	vadd.s32 v5, v4;
	v3 =	vld [tilespmem:s23+$0x54];
	s23 =	sadd.s32 $0x100, s23  }
0x56: {  	s21 =	simm.s32 $0x0  }
0x57: {  	[tilespmem:s21], [sflag:$0x1] =	stream.linear.gather [hbm4b:s7+s21], $0x4000, $0x38;
	[tilespmem:$0x10100] =	vst v63  }
0x58: {  	_ = 	snop  }
0x59: {  	[tilespmem:s13], [sflag:$0x1] =	stream.linear.gather [hbm4b:s8+s21], $0x4000, $0x38;
	[tilespmem:$0x10100] =	vst v63  }
0x5a: {  	_ =	swait.ge [sflag:s17], $0x4000  }
0x5b: {  	[sflag:s17] =	ssyncset.done $0x0  }
0x5c: {  	[sflag:s17] =	ssyncadd.s32 $0xFFFFC000  }
0x5d: {  	_ =	swait.ge [sflag:s17], $0x4000  }
0x5e: {  	[sflag:s17] =	ssyncset.done $0x0  }
0x5f: {  	s21 =	simm.s32 $0x0;
	[sflag:s17] =	ssyncadd.s32 $0xFFFFC000  }
0x60: {  	v12 =	vld [tilespmem:s21+$0x4054]  }
0x61: {  	v14 =	vld [tilespmem:s21+$0x4040]  }
0x62: {  	v15 =	vld [tilespmem:s21+$0xC040]  }
0x63: {  	v9 =	vnsel vm2, $0x0, v9;
	vm2 =	vgt.f32 v2, $0.0e+00;
	v2 =	vld [tilespmem:s21+$0xC030]  }
0x64: {  	v5 =	vadd.s32 $0x10000, v5;
	v9 =	vadd.s32 v9, v11;
	v8 =	vnsel vm2, $0x0, v8;
	v11 =	vld [tilespmem:s21+$0xC020]  }
0x65: {  	v9 =	vadd.s32 v10, v9;
	vm2 =	vgt.f32 v7, $0.0e+00;
	v7 =	vadd.s32 $0x10000, v0;
	v10 =	vld [tilespmem:s21+$0x4020]  }
0x66: {  	v8 =	vadd.s32 v8, v9;
	v5 =	vnsel vm2, $0x0, v5;
	vm2 =	vgt.f32 v6, $0.0e+00;
	v6 =	vld [tilespmem:s21+$0x4010]  }
0x67: {  	vm3 =	vgt.f32 v1, $0.0e+00;
	v1 =	vadd.s32 v5, v8;
	v5 =	vnsel vm2, $0x0, v7;
	v7 =	vld [tilespmem:s21+$0x4030]  }
0x68: {  	vm2 =	vmand vm3, vm0;
	v1 =	vadd.s32 v5, v1;
	v5 =	vadd.s32 $0x10000, v3;
	v8 =	vld [tilespmem:s21+$0xC010]  }
0x69: {  	v0 =	vadd.s32 v0, v4;
	v4 =	vnsel vm2, $0x0, v5;
	v5 =	vld [tilespmem:s21+$0xC000]  }
0x6a: {  	v3 =	vsel vm1, $0x0, v3;
	v1 =	vadd.s32 v4, v1;
	v4 =	vld [tilespmem:s21+$0x4000]  }
0x6b: {  	v0 =	vadd.s32 v3, v0;
	v13 =	vld [tilespmem:s21+$0x4050];
	v3 =	vadd.s32 $0x10000, v11  }
0x6c: {  	v16 =	vld [tilespmem:s21+$0xC054];
	vm2 =	vgt.f32 v10, $0.0e+00;
	v9 =	vadd.s32 $0x10000, v2;
	v10 =	vadd.s32 $0x10000, v15  }
0x6d: {  	vm3 =	vgt.f32 v6, $0.0e+00;
	v6 =	vld [tilespmem:s21+$0xC050];
	vm4 =	vgt.f32 v7, $0.0e+00;
	v17 =	vnsel vm2, $0x0, v3  }
0x6e: {  	vm2 =	vgt.f32 v14, $0.0e+00;
	v14 =	vadd.s32 $0x10000, v5;
	v5 =	vadd.s32 v0, v5;
	v0 =	vld [tilespmem:s21+$0xC080]  }
0x6f: {  	vm5 =	vgt.f32 v4, $0.0e+00;
	v3 =	vadd.s32 $0x10000, v8;
	v7 =	vnsel vm4, $0x0, v9;
	v9 =	vld [tilespmem:s21+$0x4090]  }
0x70: {  	v10 =	vnsel vm2, $0x0, v10;
	vm2 =	vgt.f32 v13, $0.0e+00;
	v13 =	vld [tilespmem:s21+$0x4080];
	v4 =	vnsel vm3, $0x0, v3  }
0x71: {  	v14 =	vnsel vm5, $0x0, v14;
	v8 =	vadd.s32 v8, v5;
	v5 =	vsel vm1, $0x0, v16;
	v3 =	vld [tilespmem:s21+$0xC090]  }
0x72: {  	vm3 =	vgt.f32 v12, $0.0e+00;
	v1 =	vadd.s32 v1, v14;
	v8 =	vadd.s32 v11, v8;
	v11 =	vld [tilespmem:s21+$0x40A0]  }
0x73: {  	v14 =	vadd.s32 $0x10000, v16;
	vm3 =	vmand vm3, vm0;
	v1 =	vadd.s32 v4, v1;
	v4 =	vld [tilespmem:s21+$0xC0A0]  }
0x74: {  	v12 =	vadd.s32 v2, v8;
	v2 =	vld [tilespmem:s21+$0xC0B0];
	v14 =	vnsel vm3, $0x0, v14;
	v1 =	vadd.s32 v17, v1  }
0x75: {  	v8 =	vadd.s32 $0x10000, v6;
	v12 =	vadd.s32 v15, v12;
	v7 =	vadd.s32 v7, v1;
	v1 =	vld [tilespmem:s21+$0xC0C0]  }
0x76: {  	v8 =	vnsel vm2, $0x0, v8;
	vm15 =	vgt.f32 v9, $0.0e+00;
	v7 =	vadd.s32 v10, v7;
	v10 =	vld [tilespmem:s21+$0x40B0]  }
0x77: {  	vm2 =	vgt.f32 v13, $0.0e+00;
	v13 =	vadd.s32 $0x10000, v0;
	v9 =	vadd.s32 v8, v7;
	v8 =	vld [tilespmem:s21+$0x40C0]  }
0x78: {  	v17 =	vadd.s32 $0x10000, v3;
	v16 =	vnsel vm2, $0x0, v13;
	vm2 =	vgt.f32 v11, $0.0e+00;
	v7 =	vld [tilespmem:s21+$0x40D0]  }
0x79: {  	v13 =	vadd.s32 v6, v12;
	v15 =	vnsel vm15, $0x0, v17;
	v6 =	vadd.s32 v14, v9;
	v9 =	vld [tilespmem:s21+$0x40D4]  }
0x7a: {  	s22 =	simm.s32 $0x0;
	s23 =	simm.s32 $0x400;
	v11 =	vadd.s32 $0x10000, v2;
	v12 =	vadd.s32 $0x10000, v4;
	v14 =	vadd.s32 v16, v6;
	v6 =	vld [tilespmem:s21+$0xC0D0]  }
.LBB2_4:
0x7b: {  	s22 =	sadd.s32 $0x2, s22;
	v5 =	vadd.s32 v5, v13;
	v13 =	vadd.s32 v15, v14;
	vm3 =	vgt.f32 v10, $0.0e+00;
	v10 =	vld [tilespmem:s21+$0xC0D4];
	s21 =	sshra.s32 s23, $0x2  }
0x7c: {  	v14 =	vld [tilespmem:s21+$0x4054];
	p0 =	slt.u32 s22, $0x7E;
	v0 =	vadd.s32 v0, v5;
	v5 =	vnsel vm3, $0x0, v11;
	vm3 =	vgt.f32 v8, $0.0e+00  }
0x7d: {  	v11 =	vadd.s32 $0x10000, v1;
	v8 =	vld [tilespmem:s21+$0x4050];
	v0 =	vadd.s32 v3, v0;
	v3 =	vnsel vm2, $0x0, v12  }
0x7e: {  	vm2 =	vgt.f32 v7, $0.0e+00;
	v12 =	vld [tilespmem:s21+$0x4040];
	v3 =	vadd.s32 v3, v13;
	vm4 =	vgt.f32 v9, $0.0e+00  }
0x7f: {  	v0 =	vadd.s32 v4, v0;
	v7 =	vld [tilespmem:s21+$0xC040];
	v3 =	vadd.s32 v5, v3;
	vm4 =	vmand vm4, vm0  }
0x80: {  	v5 =	vnsel vm3, $0x0, v11;
	v9 =	vadd.s32 $0x10000, v6;
	v4 =	vld [tilespmem:s21+$0xC030];
	v11 =	vsel vm1, $0x0, v10  }
0x81: {  	v0 =	vadd.s32 v2, v0;
	v2 =	vadd.s32 v5, v3;
	v3 =	vnsel vm2, $0x0, v9;
	v13 =	vld [tilespmem:s21+$0xC020]  }
0x82: {  	v0 =	vadd.s32 v1, v0;
	v1 =	vadd.s32 v3, v2;
	v2 =	vadd.s32 $0x10000, v10;
	v5 =	vld [tilespmem:s21+$0x4020]  }
0x83: {  	v0 =	vadd.s32 v6, v0;
	v2 =	vnsel vm4, $0x0, v2;
	v3 =	vld [tilespmem:s21+$0x4010]  }
0x84: {  	v0 =	vadd.s32 v11, v0;
	v1 =	vadd.s32 v2, v1;
	v6 =	vld [tilespmem:s21+$0x4030]  }
0x85: {  	v2 =	vld [tilespmem:s21+$0xC010]  }
0x86: {  	v9 =	vld [tilespmem:s21+$0xC000];
	v10 =	vadd.s32 $0x10000, v13  }
0x87: {  	v15 =	vadd.s32 $0x10000, v7;
	v11 =	vld [tilespmem:s21+$0x4000];
	vm2 =	vgt.f32 v5, $0.0e+00;
	v5 =	vadd.s32 $0x10000, v4  }
0x88: {  	v10 =	vnsel vm2, $0x0, v10;
	vm2 =	vgt.f32 v12, $0.0e+00;
	v12 =	vld [tilespmem:s21+$0xC054]  }
0x89: {  	vm3 =	vgt.f32 v3, $0.0e+00;
	v15 =	vnsel vm2, $0x0, v15;
	v16 =	vld [tilespmem:s21+$0xC050]  }
0x8a: {  	vm2 =	vgt.f32 v8, $0.0e+00;
	v3 =	vadd.s32 $0x10000, v2;
	v8 =	vld [tilespmem:s21+$0x4080]  }
0x8b: {  	vm4 =	vgt.f32 v6, $0.0e+00;
	v17 =	vadd.s32 $0x10000, v9;
	v9 =	vadd.s32 v0, v9;
	v0 =	vld [tilespmem:s21+$0xC080]  }
0x8c: {  	v6 =	vnsel vm3, $0x0, v3;
	vm5 =	vgt.f32 v11, $0.0e+00;
	v11 =	vnsel vm4, $0x0, v5;
	v18 =	vld [tilespmem:s21+$0x4090]  }
0x8d: {  	v2 =	vadd.s32 v2, v9;
	v17 =	vnsel vm5, $0x0, v17;
	v5 =	vsel vm1, $0x0, v12;
	v3 =	vld [tilespmem:s21+$0xC090]  }
0x8e: {  	vm3 =	vgt.f32 v14, $0.0e+00;
	v2 =	vadd.s32 v13, v2;
	v1 =	vadd.s32 v1, v17;
	v9 =	vld [tilespmem:s21+$0x40A0]  }
0x8f: {  	v12 =	vadd.s32 $0x10000, v12;
	v1 =	vadd.s32 v6, v1;
	v6 =	vadd.s32 v4, v2;
	v4 =	vld [tilespmem:s21+$0xC0A0]  }
0x90: {  	vm3 =	vmand vm3, vm0;
	v1 =	vadd.s32 v10, v1;
	v10 =	vadd.s32 $0x10000, v16;
	v2 =	vld [tilespmem:s21+$0xC0B0]  }
0x91: {  	v11 =	vadd.s32 v11, v1;
	v13 =	vnsel vm2, $0x0, v10;
	vm2 =	vgt.f32 v8, $0.0e+00;
	v1 =	vld [tilespmem:s21+$0xC0C0]  }
.Ltmp1:
0x92: {  	vm4 =	vgt.f32 v18, $0.0e+00;
	v8 =	vadd.s32 v15, v11;
	v11 =	vadd.s32 $0x10000, v0;
	v10 =	vld [tilespmem:s21+$0x40B0];
	(pc) =	sbr.rel @p0 .LBB2_4-.Ltmp1, $4  }
0x93: {  	v17 =	vadd.s32 $0x10000, v3;
	v14 =	vadd.s32 v13, v8;
	v15 =	vnsel vm2, $0x0, v11;
	v8 =	vld [tilespmem:s21+$0x40C0]  }
0x94: {  	v6 =	vadd.s32 v7, v6;
	v11 =	vnsel vm3, $0x0, v12;
	vm2 =	vgt.f32 v9, $0.0e+00;
	v7 =	vld [tilespmem:s21+$0x40D0]  }
0x95: {  	v13 =	vadd.s32 v16, v6;
	v6 =	vadd.s32 v11, v14;
	v11 =	vadd.s32 $0x10000, v2;
	v9 =	vld [tilespmem:s21+$0x40D4]  }
0x96: {  	s23 =	sadd.s32 $0x400, s23;
	v12 =	vadd.s32 $0x10000, v4;
	v14 =	vadd.s32 v15, v6;
	v15 =	vnsel vm4, $0x0, v17;
	v6 =	vld [tilespmem:s21+$0xC0D0]  }
0x97: {  	v16 =	vld [tilespmem:s21+$0xC0D4];
	[tilespmem:s14], [sflag:$0x2] =	stream.linear.gather [hbm4b:s9+s2], $0x4000, $0x38  }
0x98: {  	_ = 	snop  }
0x99: {  	[tilespmem:s15], [sflag:$0x2] =	stream.linear.gather [hbm4b:s10+s2], $0x4000, $0x38;
	[tilespmem:$0x10100] =	vst v63  }
0x9a: {  	_ =	swait.ge [sflag:s16], $0x4000  }
0x9b: {  	[sflag:s16] =	ssyncset.done $0x0  }
0x9c: {  	[sflag:s16] =	ssyncadd.s32 $0xFFFFC000  }
0x9d: {  	_ =	swait.ge [sflag:s16], $0x4000  }
0x9e: {  	[sflag:s16] =	ssyncset.done $0x0  }
0x9f: {  	s23 =	simm.s32 $0x8080;
	[sflag:s16] =	ssyncadd.s32 $0xFFFFC000  }
0xa0: {  	v5 =	vadd.s32 v5, v13;
	v17 =	vld [tilespmem:s23+$0xFFFFFFD4]  }
0xa1: {  	vm3 =	vgt.f32 v10, $0.0e+00;
	s21 =	simm.s32 $0x80;
	v51 =	vadd.s32 v15, v14;
	v52 =	vadd.s32 $0x10000, v1;
	v10 =	vld [tilespmem:s23+$0xFFFFFF80]  }
0xa2: {  	v0 =	vadd.s32 v0, v5;
	v5 =	vnsel vm3, $0x0, v11;
	vm3 =	vgt.f32 v8, $0.0e+00;
	v11 =	vld [tilespmem:s21+$0xFFFFFF80]  }
0xa3: {  	v0 =	vadd.s32 v3, v0;
	v3 =	vnsel vm2, $0x0, v12;
	vm2 =	vgt.f32 v7, $0.0e+00;
	v8 =	vld [tilespmem:s23+$0xFFFFFF90]  }
0xa4: {  	v3 =	vadd.s32 v3, v51;
	vm4 =	vgt.f32 v9, $0.0e+00;
	v0 =	vadd.s32 v4, v0;
	v7 =	vld [tilespmem:s23+$0xFFFFFFA0]  }
0xa5: {  	v3 =	vadd.s32 v5, v3;
	vm4 =	vmand vm4, vm0;
	v5 =	vnsel vm3, $0x0, v52;
	v4 =	vld [tilespmem:s23+$0xFFFFFFB0]  }
0xa6: {  	v9 =	vadd.s32 $0x10000, v6;
	v0 =	vadd.s32 v2, v0;
	v2 =	vadd.s32 v5, v3;
	v53 =	vld [tilespmem:s23+$0xFFFFFFC0]  }
0xa7: {  	v5 =	vnsel vm2, $0x0, v9;
	v0 =	vadd.s32 v1, v0;
	v1 =	vadd.s32 $0x10000, v16;
	v3 =	vld [tilespmem:s23+$0xFFFFFFD0]  }
0xa8: {  	v2 =	vadd.s32 v5, v2;
	v1 =	vnsel vm4, $0x0, v1;
	v9 =	vld [tilespmem:s21+$0xFFFFFFD4]  }
0xa9: {  	v1 =	vadd.s32 v1, v2;
	v2 =	vld [tilespmem:s21+$0xFFFFFFA0]  }
0xaa: {  	v54 =	vsel vm1, $0x0, v16;
	v0 =	vadd.s32 v6, v0;
	v56 =	vld [tilespmem:s21+$0xFFFFFFB0]  }
0xab: {  	v0 =	vadd.s32 v54, v0;
	v61 =	vld [tilespmem:s23+$0x20];
	v6 =	vadd.s32 $0x10000, v17  }
0xac: {  	v5 =	vld [tilespmem:s21+$0xFFFFFF90];
	v55 =	vadd.s32 $0x10000, v8;
	v57 =	vadd.s32 $0x10000, v53;
	v58 =	vsel vm1, $0x0, v17  }
0xad: {  	v19 =	vld [tilespmem:s21+$0xFFFFFFC0];
	v59 =	vadd.s32 $0x10000, v7;
	v18 =	vadd.s32 $0x10000, v4;
	v20 =	vadd.s32 $0x10000, v3  }
0xae: {  	vm2 =	vgt.f32 v11, $0.0e+00;
	v11 =	vadd.s32 $0x10000, v10;
	v0 =	vadd.s32 v0, v10  }
0xaf: {  	v10 =	vld [tilespmem:s21+$0xFFFFFFD0];
	vm3 =	vgt.f32 v2, $0.0e+00;
	vm14 =	vgt.f32 v9, $0.0e+00;
	vm15 =	vgt.f32 v56, $0.0e+00  }
0xb0: {  	v2 =	vld [tilespmem:s21+$0x0];
	v63 =	vadd.s32 $0x10000, v61;
	v11 =	vnsel vm2, $0x0, v11;
	v0 =	vadd.s32 v8, v0  }
0xb1: {  	v9 =	vld [tilespmem:s21+$0x20];
	vm2 =	vgt.f32 v5, $0.0e+00;
	v0 =	vadd.s32 v7, v0;
	v7 =	vnsel vm3, $0x0, v59  }
0xb2: {  	v5 =	vld [tilespmem:s23+$0x0];
	vm3 =	vmand vm14, vm0;
	v8 =	vnsel vm2, $0x0, v55;
	vm2 =	vgt.f32 v19, $0.0e+00  }
0xb3: {  	v1 =	vadd.s32 v1, v11;
	v11 =	vnsel vm15, $0x0, v18;
	v0 =	vadd.s32 v4, v0;
	v4 =	vld [tilespmem:s21+$0x10]  }
0xb4: {  	v1 =	vadd.s32 v8, v1;
	v0 =	vadd.s32 v53, v0;
	vm5 =	vgt.f32 v10, $0.0e+00;
	v10 =	vld [tilespmem:s23+$0x10]  }
0xb5: {  	v60 =	vnsel vm2, $0x0, v57;
	v1 =	vadd.s32 v7, v1;
	v0 =	vadd.s32 v3, v0;
	v3 =	vld [tilespmem:s23+$0x30]  }
0xb6: {  	v6 =	vnsel vm3, $0x0, v6;
	v7 =	vadd.s32 v11, v1;
	v1 =	vld [tilespmem:s21+$0x54];
	v0 =	vadd.s32 v58, v0  }
0xb7: {  	vm2 =	vgt.f32 v2, $0.0e+00;
	v2 =	vadd.s32 $0x10000, v5;
	v0 =	vadd.s32 v5, v0;
	v5 =	vld [tilespmem:s23+$0x40]  }
0xb8: {  	vm3 =	vgt.f32 v9, $0.0e+00;
	v7 =	vadd.s32 v60, v7;
	v62 =	vnsel vm2, $0x0, v2;
	v2 =	vld [tilespmem:s21+$0x30]  }
0xb9: {  	v8 =	vnsel vm5, $0x0, v20;
	vm2 =	vgt.f32 v4, $0.0e+00;
	v4 =	vadd.s32 v10, v0;
	v0 =	vld [tilespmem:s23+$0x50]  }
0xba: {  	v9 =	vadd.s32 $0x10000, v10;
	v10 =	vadd.s32 v8, v7;
	v7 =	vld [tilespmem:s21+$0x40];
	v4 =	vadd.s32 v61, v4  }
0xbb: {  	v8 =	vadd.s32 $0x10000, v3;
	v10 =	vadd.s32 v6, v10;
	v6 =	vld [tilespmem:s21+$0x50];
	v3 =	vadd.s32 v3, v4  }
0xbc: {  	s22 =	simm.s32 $0x0;
	v11 =	vadd.s32 v62, v10;
	v10 =	vnsel vm3, $0x0, v63;
	v4 =	vadd.s32 v5, v3;
	v3 =	vld [tilespmem:s23+$0x54];
	s23 =	simm.s32 $0x8180  }
.LBB2_6:
0xbd: {  	v12 =	vld [tilespmem:s23+$0xFFFFFFD4];
	s22 =	sadd.s32 $0x2, s22;
	v9 =	vnsel vm2, $0x0, v9;
	vm2 =	vgt.f32 v2, $0.0e+00;
	v2 =	vadd.s32 $0x10000, v5;
	s21 =	sadd.s32 $0x100, s21  }
0xbe: {  	v5 =	vld [tilespmem:s23+$0xFFFFFF80];
	p0 =	slt.u32 s22, $0x7E;
	v9 =	vadd.s32 v9, v11;
	v8 =	vnsel vm2, $0x0, v8;
	vm2 =	vgt.f32 v1, $0.0e+00  }
0xbf: {  	v1 =	vld [tilespmem:s21+$0xFFFFFF80];
	v9 =	vadd.s32 v10, v9;
	vm3 =	vgt.f32 v7, $0.0e+00;
	v7 =	vadd.s32 $0x10000, v0  }
0xc0: {  	v10 =	vld [tilespmem:s23+$0xFFFFFF90];
	v8 =	vadd.s32 v8, v9;
	v2 =	vnsel vm3, $0x0, v2;
	vm3 =	vgt.f32 v6, $0.0e+00  }
0xc1: {  	vm2 =	vmand vm2, vm0;
	v6 =	vld [tilespmem:s23+$0xFFFFFFA0];
	v2 =	vadd.s32 v2, v8;
	v7 =	vnsel vm3, $0x0, v7  }
0xc2: {  	v0 =	vadd.s32 v0, v4;
	v4 =	vsel vm1, $0x0, v3;
	v8 =	vld [tilespmem:s23+$0xFFFFFFB0];
	v2 =	vadd.s32 v7, v2  }
0xc3: {  	v3 =	vadd.s32 $0x10000, v3;
	v0 =	vadd.s32 v4, v0;
	v7 =	vld [tilespmem:s23+$0xFFFFFFC0]  }
0xc4: {  	v3 =	vnsel vm2, $0x0, v3;
	v4 =	vld [tilespmem:s23+$0xFFFFFFD0]  }
0xc5: {  	v2 =	vadd.s32 v3, v2;
	v9 =	vld [tilespmem:s21+$0xFFFFFFD4]  }
0xc6: {  	v3 =	vld [tilespmem:s21+$0xFFFFFF90]  }
0xc7: {  	v13 =	vadd.s32 $0x10000, v12;
	v11 =	vld [tilespmem:s21+$0xFFFFFFA0]  }
0xc8: {  	v12 =	vsel vm1, $0x0, v12;
	v14 =	vadd.s32 $0x10000, v10;
	v15 =	vld [tilespmem:s21+$0xFFFFFFB0];
	v16 =	vadd.s32 $0x10000, v7  }
0xc9: {  	v17 =	vadd.s32 $0x10000, v6;
	v18 =	vadd.s32 $0x10000, v8;
	v19 =	vld [tilespmem:s21+$0xFFFFFFC0];
	v20 =	vadd.s32 $0x10000, v4  }
0xca: {  	v0 =	vadd.s32 v0, v5;
	vm2 =	vgt.f32 v1, $0.0e+00;
	v1 =	vadd.s32 $0x10000, v5;
	v5 =	vld [tilespmem:s21+$0xFFFFFFD0]  }
0xcb: {  	v1 =	vnsel vm2, $0x0, v1;
	v0 =	vadd.s32 v10, v0;
	vm2 =	vgt.f32 v3, $0.0e+00;
	v3 =	vld [tilespmem:s23+$0x0]  }
0xcc: {  	v0 =	vadd.s32 v6, v0;
	vm4 =	vgt.f32 v9, $0.0e+00;
	vm3 =	vgt.f32 v11, $0.0e+00;
	v6 =	vld [tilespmem:s21+$0x0]  }
0xcd: {  	v0 =	vadd.s32 v8, v0;
	v9 =	vnsel vm3, $0x0, v17;
	vm3 =	vmand vm4, vm0;
	v8 =	vld [tilespmem:s21+$0x10]  }
0xce: {  	v0 =	vadd.s32 v7, v0;
	v10 =	vnsel vm2, $0x0, v14;
	vm2 =	vgt.f32 v19, $0.0e+00;
	v7 =	vld [tilespmem:s21+$0x20]  }
0xcf: {  	vm4 =	vgt.f32 v15, $0.0e+00;
	v11 =	vnsel vm2, $0x0, v16;
	vm5 =	vgt.f32 v5, $0.0e+00;
	v14 =	vld [tilespmem:s23+$0x10]  }
0xd0: {  	v1 =	vadd.s32 v2, v1;
	v15 =	vnsel vm4, $0x0, v18;
	v13 =	vnsel vm3, $0x0, v13;
	v16 =	vld [tilespmem:s23+$0x20]  }
0xd1: {  	v0 =	vadd.s32 v4, v0;
	v2 =	vadd.s32 $0x10000, v3;
	vm2 =	vgt.f32 v6, $0.0e+00;
	v4 =	vld [tilespmem:s23+$0x30]  }
0xd2: {  	v0 =	vadd.s32 v12, v0;
	v1 =	vadd.s32 v10, v1;
	v10 =	vnsel vm2, $0x0, v2;
	v2 =	vld [tilespmem:s21+$0x30]  }
0xd3: {  	v1 =	vadd.s32 v9, v1;
	v0 =	vadd.s32 v3, v0;
	vm3 =	vgt.f32 v7, $0.0e+00;
	v5 =	vld [tilespmem:s23+$0x40]  }
.Ltmp2:
0xd4: {  	v3 =	vadd.s32 v15, v1;
	vm2 =	vgt.f32 v8, $0.0e+00;
	v6 =	vadd.s32 v14, v0;
	v1 =	vld [tilespmem:s21+$0x54];
	(pc) =	sbr.rel @p0 .LBB2_6-.Ltmp2, $4  }
0xd5: {  	v3 =	vadd.s32 v11, v3;
	v7 =	vnsel vm5, $0x0, v20;
	v9 =	vadd.s32 $0x10000, v14;
	v0 =	vld [tilespmem:s23+$0x50]  }
0xd6: {  	v3 =	vadd.s32 v7, v3;
	v6 =	vadd.s32 v16, v6;
	v8 =	vadd.s32 $0x10000, v4;
	v7 =	vld [tilespmem:s21+$0x40]  }
0xd7: {  	v3 =	vadd.s32 v13, v3;
	v12 =	vadd.s32 $0x10000, v16;
	v4 =	vadd.s32 v4, v6;
	v6 =	vld [tilespmem:s21+$0x50]  }
0xd8: {  	v11 =	vadd.s32 v10, v3;
	v10 =	vnsel vm3, $0x0, v12;
	v4 =	vadd.s32 v5, v4;
	v3 =	vld [tilespmem:s23+$0x54];
	s23 =	sadd.s32 $0x100, s23  }
0xd9: {  	_ =	swait.ge [sflag:s17], $0x4000  }
0xda: {  	[sflag:s17] =	ssyncset.done $0x0  }
0xdb: {  	[sflag:s17] =	ssyncadd.s32 $0xFFFFC000  }
0xdc: {  	_ =	swait.ge [sflag:s17], $0x4000  }
0xdd: {  	[sflag:s17] =	ssyncset.done $0x0  }
0xde: {  	s21 =	simm.s32 $0x0;
	[sflag:s17] =	ssyncadd.s32 $0xFFFFC000  }
0xdf: {  	v12 =	vld [tilespmem:s21+$0x4054]  }
0xe0: {  	v14 =	vld [tilespmem:s21+$0x4040]  }
0xe1: {  	v15 =	vld [tilespmem:s21+$0xC040]  }
0xe2: {  	v9 =	vnsel vm2, $0x0, v9;
	vm2 =	vgt.f32 v2, $0.0e+00;
	v2 =	vld [tilespmem:s21+$0xC030]  }
0xe3: {  	v5 =	vadd.s32 $0x10000, v5;
	v9 =	vadd.s32 v9, v11;
	v8 =	vnsel vm2, $0x0, v8;
	v11 =	vld [tilespmem:s21+$0xC020]  }
0xe4: {  	v9 =	vadd.s32 v10, v9;
	vm2 =	vgt.f32 v7, $0.0e+00;
	v7 =	vadd.s32 $0x10000, v0;
	v10 =	vld [tilespmem:s21+$0x4020]  }
0xe5: {  	v8 =	vadd.s32 v8, v9;
	v5 =	vnsel vm2, $0x0, v5;
	vm2 =	vgt.f32 v6, $0.0e+00;
	v6 =	vld [tilespmem:s21+$0x4010]  }
0xe6: {  	vm3 =	vgt.f32 v1, $0.0e+00;
	v1 =	vadd.s32 v5, v8;
	v5 =	vnsel vm2, $0x0, v7;
	v7 =	vld [tilespmem:s21+$0x4030]  }
0xe7: {  	vm2 =	vmand vm3, vm0;
	v1 =	vadd.s32 v5, v1;
	v5 =	vadd.s32 $0x10000, v3;
	v8 =	vld [tilespmem:s21+$0xC010]  }
0xe8: {  	v0 =	vadd.s32 v0, v4;
	v4 =	vnsel vm2, $0x0, v5;
	v5 =	vld [tilespmem:s21+$0xC000]  }
0xe9: {  	v3 =	vsel vm1, $0x0, v3;
	v1 =	vadd.s32 v4, v1;
	v4 =	vld [tilespmem:s21+$0x4000]  }
0xea: {  	v13 =	vld [tilespmem:s21+$0x4050];
	v0 =	vadd.s32 v3, v0;
	v3 =	vadd.s32 $0x10000, v11  }
0xeb: {  	v16 =	vld [tilespmem:s21+$0xC054];
	vm2 =	vgt.f32 v10, $0.0e+00;
	v9 =	vadd.s32 $0x10000, v2;
	v10 =	vadd.s32 $0x10000, v15  }
0xec: {  	vm3 =	vgt.f32 v6, $0.0e+00;
	v6 =	vld [tilespmem:s21+$0xC050];
	vm4 =	vgt.f32 v7, $0.0e+00;
	v17 =	vnsel vm2, $0x0, v3  }
0xed: {  	vm2 =	vgt.f32 v14, $0.0e+00;
	v14 =	vadd.s32 $0x10000, v5;
	v5 =	vadd.s32 v0, v5;
	v0 =	vld [tilespmem:s21+$0xC080]  }
0xee: {  	v3 =	vadd.s32 $0x10000, v8;
	vm5 =	vgt.f32 v4, $0.0e+00;
	v7 =	vnsel vm4, $0x0, v9;
	v9 =	vld [tilespmem:s21+$0x4090]  }
0xef: {  	v10 =	vnsel vm2, $0x0, v10;
	vm2 =	vgt.f32 v13, $0.0e+00;
	v13 =	vld [tilespmem:s21+$0x4080];
	v4 =	vnsel vm3, $0x0, v3  }
0xf0: {  	v14 =	vnsel vm5, $0x0, v14;
	v8 =	vadd.s32 v8, v5;
	v5 =	vsel vm1, $0x0, v16;
	v3 =	vld [tilespmem:s21+$0xC090]  }
0xf1: {  	vm3 =	vgt.f32 v12, $0.0e+00;
	v1 =	vadd.s32 v1, v14;
	v8 =	vadd.s32 v11, v8;
	v11 =	vld [tilespmem:s21+$0x40A0]  }
0xf2: {  	v14 =	vadd.s32 $0x10000, v16;
	vm3 =	vmand vm3, vm0;
	v1 =	vadd.s32 v4, v1;
	v4 =	vld [tilespmem:s21+$0xC0A0]  }
0xf3: {  	v12 =	vadd.s32 v2, v8;
	v2 =	vld [tilespmem:s21+$0xC0B0];
	v14 =	vnsel vm3, $0x0, v14;
	v1 =	vadd.s32 v17, v1  }
0xf4: {  	v8 =	vadd.s32 $0x10000, v6;
	v12 =	vadd.s32 v15, v12;
	v7 =	vadd.s32 v7, v1;
	v1 =	vld [tilespmem:s21+$0xC0C0]  }
0xf5: {  	v8 =	vnsel vm2, $0x0, v8;
	vm15 =	vgt.f32 v9, $0.0e+00;
	v7 =	vadd.s32 v10, v7;
	v10 =	vld [tilespmem:s21+$0x40B0]  }
0xf6: {  	vm2 =	vgt.f32 v13, $0.0e+00;
	v13 =	vadd.s32 $0x10000, v0;
	v9 =	vadd.s32 v8, v7;
	v8 =	vld [tilespmem:s21+$0x40C0]  }
0xf7: {  	v17 =	vadd.s32 $0x10000, v3;
	v16 =	vnsel vm2, $0x0, v13;
	vm2 =	vgt.f32 v11, $0.0e+00;
	v7 =	vld [tilespmem:s21+$0x40D0]  }
0xf8: {  	v13 =	vadd.s32 v6, v12;
	v15 =	vnsel vm15, $0x0, v17;
	v6 =	vadd.s32 v14, v9;
	v9 =	vld [tilespmem:s21+$0x40D4]  }
0xf9: {  	s22 =	simm.s32 $0x0;
	s23 =	simm.s32 $0x400;
	v11 =	vadd.s32 $0x10000, v2;
	v12 =	vadd.s32 $0x10000, v4;
	v14 =	vadd.s32 v16, v6;
	v6 =	vld [tilespmem:s21+$0xC0D0]  }
.LBB2_8:
0xfa: {  	s22 =	sadd.s32 $0x2, s22;
	v5 =	vadd.s32 v5, v13;
	v13 =	vadd.s32 v15, v14;
	vm3 =	vgt.f32 v10, $0.0e+00;
	v10 =	vld [tilespmem:s21+$0xC0D4];
	s21 =	sshra.s32 s23, $0x2  }
0xfb: {  	v14 =	vld [tilespmem:s21+$0x4054];
	p0 =	slt.u32 s22, $0x7E;
	v0 =	vadd.s32 v0, v5;
	v5 =	vnsel vm3, $0x0, v11;
	vm3 =	vgt.f32 v8, $0.0e+00  }
0xfc: {  	v11 =	vadd.s32 $0x10000, v1;
	v8 =	vld [tilespmem:s21+$0x4050];
	v0 =	vadd.s32 v3, v0;
	v3 =	vnsel vm2, $0x0, v12  }
0xfd: {  	vm2 =	vgt.f32 v7, $0.0e+00;
	v12 =	vld [tilespmem:s21+$0x4040];
	v3 =	vadd.s32 v3, v13;
	vm4 =	vgt.f32 v9, $0.0e+00  }
0xfe: {  	v0 =	vadd.s32 v4, v0;
	v7 =	vld [tilespmem:s21+$0xC040];
	v3 =	vadd.s32 v5, v3;
	vm4 =	vmand vm4, vm0  }
0xff: {  	v5 =	vnsel vm3, $0x0, v11;
	v9 =	vadd.s32 $0x10000, v6;
	v4 =	vld [tilespmem:s21+$0xC030];
	v11 =	vsel vm1, $0x0, v10  }
0x100: {  	v0 =	vadd.s32 v2, v0;
	v2 =	vadd.s32 v5, v3;
	v3 =	vnsel vm2, $0x0, v9;
	v13 =	vld [tilespmem:s21+$0xC020]  }
0x101: {  	v0 =	vadd.s32 v1, v0;
	v1 =	vadd.s32 v3, v2;
	v2 =	vadd.s32 $0x10000, v10;
	v5 =	vld [tilespmem:s21+$0x4020]  }
0x102: {  	v0 =	vadd.s32 v6, v0;
	v2 =	vnsel vm4, $0x0, v2;
	v3 =	vld [tilespmem:s21+$0x4010]  }
0x103: {  	v0 =	vadd.s32 v11, v0;
	v1 =	vadd.s32 v2, v1;
	v6 =	vld [tilespmem:s21+$0x4030]  }
0x104: {  	v2 =	vld [tilespmem:s21+$0xC010]  }
0x105: {  	v9 =	vld [tilespmem:s21+$0xC000];
	v10 =	vadd.s32 $0x10000, v13  }
0x106: {  	v15 =	vadd.s32 $0x10000, v7;
	v11 =	vld [tilespmem:s21+$0x4000];
	vm2 =	vgt.f32 v5, $0.0e+00;
	v5 =	vadd.s32 $0x10000, v4  }
0x107: {  	v10 =	vnsel vm2, $0x0, v10;
	vm2 =	vgt.f32 v12, $0.0e+00;
	v12 =	vld [tilespmem:s21+$0xC054]  }
0x108: {  	vm3 =	vgt.f32 v3, $0.0e+00;
	v15 =	vnsel vm2, $0x0, v15;
	v16 =	vld [tilespmem:s21+$0xC050]  }
0x109: {  	vm2 =	vgt.f32 v8, $0.0e+00;
	v3 =	vadd.s32 $0x10000, v2;
	v8 =	vld [tilespmem:s21+$0x4080]  }
0x10a: {  	vm4 =	vgt.f32 v6, $0.0e+00;
	v17 =	vadd.s32 $0x10000, v9;
	v9 =	vadd.s32 v0, v9;
	v0 =	vld [tilespmem:s21+$0xC080]  }
0x10b: {  	v6 =	vnsel vm3, $0x0, v3;
	vm5 =	vgt.f32 v11, $0.0e+00;
	v11 =	vnsel vm4, $0x0, v5;
	v18 =	vld [tilespmem:s21+$0x4090]  }
0x10c: {  	v2 =	vadd.s32 v2, v9;
	v17 =	vnsel vm5, $0x0, v17;
	v5 =	vsel vm1, $0x0, v12;
	v3 =	vld [tilespmem:s21+$0xC090]  }
0x10d: {  	vm3 =	vgt.f32 v14, $0.0e+00;
	v2 =	vadd.s32 v13, v2;
	v1 =	vadd.s32 v1, v17;
	v9 =	vld [tilespmem:s21+$0x40A0]  }
0x10e: {  	v12 =	vadd.s32 $0x10000, v12;
	v1 =	vadd.s32 v6, v1;
	v6 =	vadd.s32 v4, v2;
	v4 =	vld [tilespmem:s21+$0xC0A0]  }
0x10f: {  	vm3 =	vmand vm3, vm0;
	v1 =	vadd.s32 v10, v1;
	v10 =	vadd.s32 $0x10000, v16;
	v2 =	vld [tilespmem:s21+$0xC0B0]  }
0x110: {  	v11 =	vadd.s32 v11, v1;
	v13 =	vnsel vm2, $0x0, v10;
	vm2 =	vgt.f32 v8, $0.0e+00;
	v1 =	vld [tilespmem:s21+$0xC0C0]  }
.Ltmp3:
0x111: {  	vm4 =	vgt.f32 v18, $0.0e+00;
	v8 =	vadd.s32 v15, v11;
	v11 =	vadd.s32 $0x10000, v0;
	v10 =	vld [tilespmem:s21+$0x40B0];
	(pc) =	sbr.rel @p0 .LBB2_8-.Ltmp3, $4  }
0x112: {  	v17 =	vadd.s32 $0x10000, v3;
	v14 =	vadd.s32 v13, v8;
	v15 =	vnsel vm2, $0x0, v11;
	v8 =	vld [tilespmem:s21+$0x40C0]  }
0x113: {  	v6 =	vadd.s32 v7, v6;
	v11 =	vnsel vm3, $0x0, v12;
	vm2 =	vgt.f32 v9, $0.0e+00;
	v7 =	vld [tilespmem:s21+$0x40D0]  }
0x114: {  	v13 =	vadd.s32 v16, v6;
	v6 =	vadd.s32 v11, v14;
	v11 =	vadd.s32 $0x10000, v2;
	v9 =	vld [tilespmem:s21+$0x40D4]  }
0x115: {  	s23 =	sadd.s32 $0x400, s23;
	v12 =	vadd.s32 $0x10000, v4;
	v14 =	vadd.s32 v15, v6;
	v15 =	vnsel vm4, $0x0, v17;
	v6 =	vld [tilespmem:s21+$0xC0D0]  }
0x116: {  	v5 =	vadd.s32 v5, v13;
	v51 =	vadd.s32 v15, v14;
	vm3 =	vgt.f32 v10, $0.0e+00  }
0x117: {  	v52 =	vld [tilespmem:s21+$0xC0D4];
	v54 =	vnsel vm2, $0x0, v12;
	v55 =	vadd.s32 $0x10000, v1;
	v0 =	vadd.s32 v0, v5  }
0x118: {  	v53 =	vnsel vm3, $0x0, v11;
	vm3 =	vgt.f32 v8, $0.0e+00;
	v0 =	vadd.s32 v3, v0  }
0x119: {  	v3 =	vadd.s32 v54, v51;
	vm2 =	vgt.f32 v7, $0.0e+00;
	v56 =	vnsel vm3, $0x0, v55  }
0x11a: {  	vm4 =	vgt.f32 v9, $0.0e+00;
	v0 =	vadd.s32 v4, v0;
	v3 =	vadd.s32 v53, v3  }
0x11b: {  	vm4 =	vmand vm4, vm0;
	v57 =	vadd.s32 $0x10000, v6;
	v0 =	vadd.s32 v2, v0  }
0x11c: {  	v58 =	vadd.s32 v56, v3;
	v59 =	vnsel vm2, $0x0, v57;
	v60 =	vadd.s32 $0x10000, v52  }
0x11d: {  	v0 =	vadd.s32 v1, v0;
	v61 =	vadd.s32 v59, v58;
	v62 =	vnsel vm4, $0x0, v60  }
0x11e: {  	s20 =	sadd.s32 $0x1, s20;
	v63 =	vsel vm1, $0x0, v52;
	v0 =	vadd.s32 v6, v0;
	v1 =	vadd.s32 v62, v61  }
0x11f: {  	p0 =	sne.s32 s20, s12;
	v0 =	vadd.s32 v63, v0;
	[tilespmem:$0x10000] =	vst v1  }
.Ltmp4:
0x120: {  	[tilespmem:$0x10080] =	vst v0;
	(pc) =	sbr.rel @p0 .LBB2_1-.Ltmp4, $4  }
0x121: {  	[hbm4b:s11+s2] =	stream.linear.scatter [tilespmem:s18], [sflag:$0x3], $0x100, $0x38;
	[tilespmem:$0x10100] =	vst v63  }
0x122: {  	_ =	swait.ge [sflag:s19], $0x100  }
0x123: {  	[sflag:s19] =	ssyncset.done $0x0  }
0x124: {  	[sflag:s19] =	ssyncadd.s32 $0xFFFFFF00  }
0x125: {  	_ =	sfence.sel $0x180000  }
0x126: {  	[bflag:$0x0] =	sbarrier.arrive $0xFFFF  }
0x127: {  	p0 =	sne.s32 s1, $0x0;
	_ =	strace $0x90000047  }
0x128: {  	s0 =	sadd.s32 @!p0 $0x100000, s0;
	[bflag:$0x2] =	sbarrier.arrive $0xFFFF  }
0x129: {  	[sflag:s0] =	ssyncadd.tile.s32 @!p0 $0x1;
	_ =	shalt  }
.Lfunc_end2:
_tile_overlayer_lowered:
.L_overlay_start_2:
0x12a: {  	(tag) =	ssettag $0x2  }
0x12b: {  	s0 =	rddreg [dreg:$0x0];
	s2 =	stileid.u32  }
0x12c: {  	s1 =	rddreg [dreg:$0x1];
	p0 =	sne.s32 s2, $0x0  }
0x12d: {  	s3 =	rddreg [dreg:$0x2];
	[bflag:$0x3] =	sbarrier.arrive $0xFFFF;
	s2 =	simm.s32 @!p0 $0x1C03  }
0x12e: {  	[timem:s3], [sflag:s2] =	dma.local @!p0 [hbm:s0], s1  }
0x12f: {  	s0 =	simm.s32 @!p0 $0x3  }
0x130: {  	_ =	swait.ge @!p0 [sflag:s0], s1  }
0x131: {  	s1 =	ssub.s32 @!p0 $0x0, s1;
	[sflag:s0] =	ssyncset.done @!p0 $0x0  }
0x132: {  	[sflag:s0] =	ssyncadd.s32 @!p0 s1  }
0x133: {  	[bflag:$0x3] =	sbarrier.arrive $0xFFFF  }
0x134: {  	_ =	shalt  }

</sc_bundles>
